<compile_context>
chip_gen: v7x
topology: tpu7x:2x2x1
jax: 0.10.2.dev20260603
libtpu: 0.0.44.dev20260713+nightly
codegen_flags: <defaults>
</compile_context>

<pallas_src>
import functools

import jax
import jax.numpy as jnp
from jax import lax
from jax.experimental import pallas as pl
from jax.experimental.pallas import tpu as pltpu
from jax.experimental.pallas import tpu_sc as plsc

D = 32
NC, NS = 2, 16
NW = NC * NS
CB = 128
RB = D // 8
V = 1000000
W1 = 512
NBLK1 = V // W1
TROWS = W1 * D // CB
NT1 = 62


@jax.jit
def _detile_table(wt, wtail):
    mesh = plsc.VectorSubcoreMesh(core_axis_name="c", subcore_axis_name="s")

    @functools.partial(
        pl.kernel,
        out_type=jax.ShapeDtypeStruct((V * D // CB, CB), jnp.float32),
        mesh=mesh,
        scratch_types=[
            pltpu.VMEM((D, W1), jnp.float32),
            pltpu.VMEM((D, W1), jnp.float32),
            pltpu.VMEM((TROWS, CB), jnp.float32),
            pltpu.VMEM((TROWS, CB), jnp.float32),
            pltpu.SemaphoreType.DMA,
            pltpu.SemaphoreType.DMA,
            pltpu.SemaphoreType.DMA,
            pltpu.SemaphoreType.DMA,
        ],
        compiler_params=pltpu.CompilerParams(
            needs_layout_passes=False, disable_bounds_checks=True
        ),
    )
    def k1(wt_hbm, wtail_hbm, out_hbm, blk0, blk1, tr0, tr1, rs0, rs1,
           ws0, ws1):
        blks, trs = [blk0, blk1], [tr0, tr1]
        rsems, wsems = [rs0, rs1], [ws0, ws1]
        wid = lax.axis_index("s") * NC + lax.axis_index("c")
        lane = lax.iota(jnp.int32, 16)
        ridx = [lane, lane + 16]

        @pl.when(wid == NW - 1)
        def _():
            pltpu.sync_copy(wtail_hbm, out_hbm.at[pl.ds(V * D // CB - 16, 16)])

        def issue_read(tl, s):
            t = tl * NW + wid

            @pl.when(t < NBLK1)
            def _():
                pltpu.async_copy(
                    wt_hbm.at[:, pl.ds(t * W1, W1)], blks[s], rsems[s]
                )

        issue_read(jnp.int32(0), 0)

        def transpose(src, dst):
            @plsc.parallel_loop(0, W1, step=1, unroll=16)
            def tbody(i):
                iv = jnp.full((16,), 0, jnp.int32) + i
                for h in range(2):
                    n0 = i * D + h * 16
                    vals = plsc.load_gather(src, [ridx[h], iv])
                    dst[n0 // CB, pl.ds(n0 % CB, 16)] = vals

        def outer(o, carry):
            for s in range(2):
                tl = o * 2 + s
                issue_read(tl + 1, 1 - s)
                t = tl * NW + wid

                @pl.when(t < NBLK1)
                def _():
                    pltpu.make_async_copy(
                        wt_hbm.at[:, pl.ds(0, W1)], blks[s], rsems[s]
                    ).wait()

                    @pl.when(tl >= 2)
                    def __():
                        pltpu.make_async_copy(
                            trs[s], out_hbm.at[pl.ds(0, TROWS)], wsems[s]
                        ).wait()

                    transpose(blks[s], trs[s])
                    pltpu.async_copy(
                        trs[s], out_hbm.at[pl.ds(t * TROWS, TROWS)], wsems[s]
                    )
            return carry

        lax.fori_loop(0, NT1 // 2, outer, 0)
        for s in range(2):
            tl_last = NT1 - 2 + s
            t = tl_last * NW + wid

            @pl.when(t < NBLK1)
            def _():
                pltpu.make_async_copy(
                    trs[s], out_hbm.at[pl.ds(0, TROWS)], wsems[s]
                ).wait()

    return k1(wt, wtail)


@functools.partial(jax.jit, static_argnums=(1, 2))
def _gather_rows(args, b, f):
    xt2, wlin = args
    nchunk = f * (b // CB)
    per_w = nchunk // NW

    mesh = plsc.VectorSubcoreMesh(core_axis_name="c", subcore_axis_name="s")

    @functools.partial(
        pl.kernel,
        out_type=jax.ShapeDtypeStruct((f, RB, b // CB, 8, CB), jnp.float32),
        mesh=mesh,
        scratch_types=[
            pltpu.VMEM((per_w, CB), jnp.int32),
            pltpu.VMEM((CB, D), jnp.float32),
            pltpu.VMEM((CB, D), jnp.float32),
            pltpu.VMEM((D, CB), jnp.float32),
            pltpu.VMEM((D, CB), jnp.float32),
            pltpu.SemaphoreType.DMA,
            pltpu.SemaphoreType.DMA,
            pltpu.SemaphoreType.DMA,
            pltpu.SemaphoreType.DMA,
        ],
        compiler_params=pltpu.CompilerParams(
            use_tc_tiling_on_sc=False,
            needs_layout_passes=False,
            disable_bounds_checks=True,
        ),
    )
    def k2(xt_hbm, w_hbm, out_hbm, idx_v, rows0, rows1, tr0, tr1,
           gs0, gs1, ws0, ws1):
        rows, trs = [rows0, rows1], [tr0, tr1]
        gsems, wsems = [gs0, gs1], [ws0, ws1]
        wid = lax.axis_index("s") * NC + lax.axis_index("c")
        pltpu.sync_copy(xt_hbm.at[pl.ds(wid * per_w, per_w)], idx_v)
        lane = lax.iota(jnp.int32, 16)
        cidx = [lane + (c0 * 16) for c0 in range(CB // 16)]

        def issue_gather(tl, s):
            @pl.when(tl < per_w)
            def _():
                pltpu.async_copy(
                    w_hbm.at[idx_v.at[tl]], rows[s], gsems[s]
                )

        issue_gather(jnp.int32(0), 0)

        def outer(o, carry):
            for s in range(2):
                tl = o * 2 + s
                issue_gather(tl + 1, 1 - s)
                t = wid * per_w + tl
                fi = t // (b // CB)
                cb = t % (b // CB)
                pltpu.make_async_copy(
                    w_hbm.at[idx_v.at[0]], rows[s], gsems[s]
                ).wait()

                @pl.when(tl >= 2)
                def _():
                    for rb in range(RB):
                        pltpu.make_async_copy(
                            trs[s].at[pl.ds(rb * 8, 8)],
                            out_hbm.at[0, rb, 0],
                            wsems[s],
                        ).wait()

                @plsc.parallel_loop(0, D, step=1, unroll=8)
                def tbody(d):
                    didx = jnp.full((16,), 0, jnp.int32) + d
                    for c0 in range(CB // 16):
                        trs[s][d, pl.ds(c0 * 16, 16)] = plsc.load_gather(
                            rows[s], [cidx[c0], didx]
                        )

                for rb in range(RB):
                    pltpu.async_copy(
                        trs[s].at[pl.ds(rb * 8, 8)],
                        out_hbm.at[fi, rb, cb],
                        wsems[s],
                    )
            return carry

        lax.fori_loop(0, per_w // 2, outer, 0)
        for s in range(2):
            for rb in range(RB):
                pltpu.make_async_copy(
                    trs[s].at[pl.ds(rb * 8, 8)], out_hbm.at[0, rb, 0],
                    wsems[s],
                ).wait()

    return k2(xt2, wlin)


def kernel(x, weight):
    b, f = x.shape
    xt2 = x.T.astype(jnp.int32).reshape(f * (b // CB), CB)
    wtail = weight[V - 64:].reshape(16, CB)
    wlin = _detile_table(weight.T, wtail)
    y = _gather_rows((xt2, wlin.reshape(V, D)), b, f)
    return y.transpose(2, 4, 0, 1, 3).reshape(b, f, D)

# --- scband reference (transcript-rebuilt; emitter-appended) ---
"""Pipeline reference for scband-features-embedding-9586367004832 (READ-ONLY COPY).

The authoritative reference and input builder live on the scoring server;
editing this copy changes nothing except your own understanding.
"""

import jax, jax.numpy as jnp
import numpy as np

FIELD_DIMS = 1000000
EMBED_DIM = 32
BATCH = 16384
NUM_FIELDS = 26

def setup_inputs(seed: int = 0) -> dict:
    key = jax.random.key(seed)
    k_idx, k_w = jax.random.split(key)
    x = jax.random.randint(k_idx, (BATCH, NUM_FIELDS), 0, FIELD_DIMS, dtype=jnp.int64 if jax.config.jax_enable_x64 else jnp.int32)
    # Xavier uniform init for embedding table: bound = sqrt(6 / (fan_in + fan_out))
    bound = float(np.sqrt(6.0 / (FIELD_DIMS + EMBED_DIM)))
    weight = jax.random.uniform(k_w, (FIELD_DIMS, EMBED_DIM), dtype=jnp.float32, minval=-bound, maxval=bound)
    return {"x": x, "weight": weight}

def reference(x, weight):
    # torch.nn.Embedding forward: gather rows of the table by index
    return jnp.take(weight, x, axis=0)

if __name__ == "__main__":
    import jax
    _d = setup_inputs()
    print(jax.jit(kernel)(*tuple(_d.values())))

</pallas_src>

<mosaic_0001>
#map = affine_map<(d0, d1) -> (0, 0)>
module attributes {stable_mosaic.version = 14 : i64} {
  func.func @k1(%arg0: i32, %arg1: i32, %arg2: memref<32x1000000xf32, #tpu.memory_space<hbm>>, %arg3: memref<16x128xf32, #tpu.memory_space<hbm>>, %arg4: memref<250000x128xf32, #tpu.memory_space<hbm>>, %arg5: memref<32x512xf32, #tpu.memory_space<vmem>>, %arg6: memref<32x512xf32, #tpu.memory_space<vmem>>, %arg7: memref<128x128xf32, #tpu.memory_space<vmem>>, %arg8: memref<128x128xf32, #tpu.memory_space<vmem>>, %arg9: memref<!tpu.dma_semaphore, #tpu.memory_space<semaphore_mem>>, %arg10: memref<!tpu.dma_semaphore, #tpu.memory_space<semaphore_mem>>, %arg11: memref<!tpu.dma_semaphore, #tpu.memory_space<semaphore_mem>>, %arg12: memref<!tpu.dma_semaphore, #tpu.memory_space<semaphore_mem>>) attributes {dimension_semantics = [#tpu.dimension_semantics<core_parallel>, #tpu.dimension_semantics<subcore_parallel>], iteration_bounds = array<i64: 2, 16>, scalar_prefetch = 0 : i64, scratch_operands = 8 : i64, tpu.core_type = #tpu.core_type<sc_vector_subcore>, window_params = [{transform_indices = #map}, {transform_indices = #map}, {transform_indices = #map}]} {
    %mul3A = arith.constant 2 : i32
    %mul3A_0 = arith.muli %arg1, %mul3A : i32
    %add3A = arith.addi %mul3A_0, %arg0 : i32
    %iota3A = tpu.iota {dimensions = array<i32: 0>} : vector<16xi32>
    %add3A_1 = arith.constant 16 : i32
    %add3A_2 = vector.broadcast %add3A_1 : i32 to vector<16xi32>
    %add3A_3 = arith.addi %iota3A, %add3A_2 : vector<16xi32>
    %eq3A = arith.constant 31 : i32
    %eq3A_4 = arith.cmpi eq, %add3A, %eq3A : i32
    %convert_element_type3A = arith.extui %eq3A_4 : i1 to i32
    %cond3A = arith.constant 0 : i32
    %cond3A_5 = arith.cmpi ne, %convert_element_type3A, %cond3A : i32
    scf.if %cond3A_5 {
      "tpu.region"() ({
        %run_scoped3A = tpu.sem_alloc : memref<!tpu.dma_semaphore, #tpu.memory_space<semaphore_mem>>
        %dma_start3A = arith.constant 249984 : i32
        %dma_start3A_33 = arith.constant 0 : i32
        %dma_start3A_34 = tpu.memref_slice %arg4[%dma_start3A, %dma_start3A_33] : memref<250000x128xf32, #tpu.memory_space<hbm>> -> memref<16x128xf32, #tpu.memory_space<hbm>>
        tpu.enqueue_dma source(%arg3 : memref<16x128xf32, #tpu.memory_space<hbm>>) target(%dma_start3A_34 : memref<16x128xf32, #tpu.memory_space<hbm>>) target_semaphore(%run_scoped3A : memref<!tpu.dma_semaphore, #tpu.memory_space<semaphore_mem>>)
        %dma_wait3A = arith.constant 249984 : i32
        %dma_wait3A_35 = arith.constant 0 : i32
        %dma_wait3A_36 = tpu.memref_slice %arg4[%dma_wait3A, %dma_wait3A_35] : memref<250000x128xf32, #tpu.memory_space<hbm>> -> memref<16x128xf32, #tpu.memory_space<hbm>>
        tpu.wait_dma2 semaphore(%run_scoped3A : memref<!tpu.dma_semaphore, #tpu.memory_space<semaphore_mem>>) src(%arg3 : memref<16x128xf32, #tpu.memory_space<hbm>>) dst(%dma_wait3A_36 : memref<16x128xf32, #tpu.memory_space<hbm>>)
        tpu.yield
      }) : () -> ()
    } else {
    }
    %mul3A_6 = arith.constant 0 : i32
    %mul3A_7 = arith.constant 32 : i32
    %mul3A_8 = arith.muli %mul3A_6, %mul3A_7 : i32
    %add3A_9 = arith.addi %mul3A_8, %add3A : i32
    %lt3A = arith.constant 1953 : i32
    %lt3A_10 = arith.cmpi slt, %add3A_9, %lt3A : i32
    %convert_element_type3A_11 = arith.extui %lt3A_10 : i1 to i32
    %cond3A_12 = arith.constant 0 : i32
    %cond3A_13 = arith.cmpi ne, %convert_element_type3A_11, %cond3A_12 : i32
    scf.if %cond3A_13 {
      %mul3A_33 = arith.constant 512 : i32
      %mul3A_34 = arith.muli %add3A_9, %mul3A_33 : i32
      %dma_start3A = arith.constant 0 : i32
      %dma_start3A_35 = tpu.memref_slice %arg2[%dma_start3A, %mul3A_34] : memref<32x1000000xf32, #tpu.memory_space<hbm>> -> memref<32x512xf32, #tpu.memory_space<hbm>>
      %dma_start3A_36 = arith.constant 0 : i32
      %dma_start3A_37 = tpu.memref_slice %arg2[%dma_start3A_36, %mul3A_34] : memref<32x1000000xf32, #tpu.memory_space<hbm>> -> memref<32x512xf32, #tpu.memory_space<hbm>>
      tpu.enqueue_dma source(%dma_start3A_37 : memref<32x512xf32, #tpu.memory_space<hbm>>) target(%arg5 : memref<32x512xf32, #tpu.memory_space<vmem>>) target_semaphore(%arg9 : memref<!tpu.dma_semaphore, #tpu.memory_space<semaphore_mem>>)
    } else {
    }
    %scan3A = arith.constant 0 : i32
    %scan3A_14 = arith.constant 0 : i32
    %scan3A_15 = arith.constant 31 : i32
    %scan3A_16 = arith.addi %scan3A_14, %scan3A_15 : i32
    %scan3A_17 = arith.constant 1 : i32
    scf.for %scan3A_33 = %scan3A_14 to %scan3A_16 step %scan3A_17  : i32 {
      %mul3A_34 = arith.constant 2 : i32
      %mul3A_35 = arith.muli %scan3A_33, %mul3A_34 : i32
      %add3A_36 = arith.constant 0 : i32
      %add3A_37 = arith.addi %mul3A_35, %add3A_36 : i32
      %add3A_38 = arith.constant 1 : i32
      %add3A_39 = arith.addi %add3A_37, %add3A_38 : i32
      %mul3A_40 = arith.constant 32 : i32
      %mul3A_41 = arith.muli %add3A_39, %mul3A_40 : i32
      %add3A_42 = arith.addi %mul3A_41, %add3A : i32
      %lt3A_43 = arith.constant 1953 : i32
      %lt3A_44 = arith.cmpi slt, %add3A_42, %lt3A_43 : i32
      %convert_element_type3A_45 = arith.extui %lt3A_44 : i1 to i32
      %cond3A_46 = arith.constant 0 : i32
      %cond3A_47 = arith.cmpi ne, %convert_element_type3A_45, %cond3A_46 : i32
      scf.if %cond3A_47 {
        %mul3A_78 = arith.constant 512 : i32
        %mul3A_79 = arith.muli %add3A_42, %mul3A_78 : i32
        %dma_start3A = arith.constant 0 : i32
        %dma_start3A_80 = tpu.memref_slice %arg2[%dma_start3A, %mul3A_79] : memref<32x1000000xf32, #tpu.memory_space<hbm>> -> memref<32x512xf32, #tpu.memory_space<hbm>>
        %dma_start3A_81 = arith.constant 0 : i32
        %dma_start3A_82 = tpu.memref_slice %arg2[%dma_start3A_81, %mul3A_79] : memref<32x1000000xf32, #tpu.memory_space<hbm>> -> memref<32x512xf32, #tpu.memory_space<hbm>>
        tpu.enqueue_dma source(%dma_start3A_82 : memref<32x512xf32, #tpu.memory_space<hbm>>) target(%arg6 : memref<32x512xf32, #tpu.memory_space<vmem>>) target_semaphore(%arg10 : memref<!tpu.dma_semaphore, #tpu.memory_space<semaphore_mem>>)
      } else {
      }
      %mul3A_48 = arith.constant 32 : i32
      %mul3A_49 = arith.muli %add3A_37, %mul3A_48 : i32
      %add3A_50 = arith.addi %mul3A_49, %add3A : i32
      %lt3A_51 = arith.constant 1953 : i32
      %lt3A_52 = arith.cmpi slt, %add3A_50, %lt3A_51 : i32
      %convert_element_type3A_53 = arith.extui %lt3A_52 : i1 to i32
      %cond3A_54 = arith.constant 0 : i32
      %cond3A_55 = arith.cmpi ne, %convert_element_type3A_53, %cond3A_54 : i32
      scf.if %cond3A_55 {
        %dma_wait3A = arith.constant 0 : i32
        %dma_wait3A_78 = arith.constant 0 : i32
        %dma_wait3A_79 = tpu.memref_slice %arg2[%dma_wait3A, %dma_wait3A_78] : memref<32x1000000xf32, #tpu.memory_space<hbm>> -> memref<32x512xf32, #tpu.memory_space<hbm>>
        %dma_wait3A_80 = arith.constant 0 : i32
        %dma_wait3A_81 = arith.constant 0 : i32
        %dma_wait3A_82 = tpu.memref_slice %arg2[%dma_wait3A_80, %dma_wait3A_81] : memref<32x1000000xf32, #tpu.memory_space<hbm>> -> memref<32x512xf32, #tpu.memory_space<hbm>>
        tpu.wait_dma2 semaphore(%arg9 : memref<!tpu.dma_semaphore, #tpu.memory_space<semaphore_mem>>) src(%dma_wait3A_82 : memref<32x512xf32, #tpu.memory_space<hbm>>) dst(%arg5 : memref<32x512xf32, #tpu.memory_space<vmem>>)
        %ge3A = arith.constant 2 : i32
        %ge3A_83 = arith.cmpi sge, %add3A_37, %ge3A : i32
        %convert_element_type3A_84 = arith.extui %ge3A_83 : i1 to i32
        %cond3A_85 = arith.constant 0 : i32
        %cond3A_86 = arith.cmpi ne, %convert_element_type3A_84, %cond3A_85 : i32
        scf.if %cond3A_86 {
          %dma_wait3A_94 = arith.constant 0 : i32
          %dma_wait3A_95 = arith.constant 0 : i32
          %dma_wait3A_96 = tpu.memref_slice %arg4[%dma_wait3A_94, %dma_wait3A_95] : memref<250000x128xf32, #tpu.memory_space<hbm>> -> memref<128x128xf32, #tpu.memory_space<hbm>>
          %dma_wait3A_97 = arith.constant 0 : i32
          %dma_wait3A_98 = arith.constant 0 : i32
          %dma_wait3A_99 = tpu.memref_slice %arg4[%dma_wait3A_97, %dma_wait3A_98] : memref<250000x128xf32, #tpu.memory_space<hbm>> -> memref<128x128xf32, #tpu.memory_space<hbm>>
          tpu.wait_dma2 semaphore(%arg11 : memref<!tpu.dma_semaphore, #tpu.memory_space<semaphore_mem>>) src(%arg7 : memref<128x128xf32, #tpu.memory_space<vmem>>) dst(%dma_wait3A_99 : memref<128x128xf32, #tpu.memory_space<hbm>>)
        } else {
        }
        %parallel_loop3A = arith.constant 0 : i32
        %parallel_loop3A_87 = arith.constant 512 : i32
        %parallel_loop3A_88 = arith.constant 1 : i32
        scf.for %parallel_loop3A_94 = %parallel_loop3A to %parallel_loop3A_87 step %parallel_loop3A_88  : i32 {
          %parallel_loop3A_95 = arith.constant 0 : i32
          %parallel_loop3A_96 = vector.broadcast %parallel_loop3A_95 : i32 to vector<16xi32>
          %parallel_loop3A_97 = vector.broadcast %parallel_loop3A_94 : i32 to vector<16xi32>
          %parallel_loop3A_98 = arith.addi %parallel_loop3A_96, %parallel_loop3A_97 : vector<16xi32>
          %parallel_loop3A_99 = arith.constant 32 : i32
          %parallel_loop3A_100 = arith.muli %parallel_loop3A_94, %parallel_loop3A_99 : i32
          %parallel_loop3A_101 = arith.constant 0 : i32
          %parallel_loop3A_102 = arith.addi %parallel_loop3A_100, %parallel_loop3A_101 : i32
          %parallel_loop3A_103 = tpu.vector_load_idx %arg5[%iota3A, %parallel_loop3A_98] : memref<32x512xf32, #tpu.memory_space<vmem>>[vector<16xi32>, vector<16xi32>], vector<16xf32>,
          %parallel_loop3A_104 = arith.constant 128 : i32
          %parallel_loop3A_105 = arith.divsi %parallel_loop3A_102, %parallel_loop3A_104 : i32
          %parallel_loop3A_106 = arith.constant 0 : i32
          %parallel_loop3A_107 = arith.cmpi sgt, %parallel_loop3A_102, %parallel_loop3A_106 : i32
          %parallel_loop3A_108 = arith.extui %parallel_loop3A_107 : i1 to i32
          %parallel_loop3A_109 = arith.constant 0 : i32
          %parallel_loop3A_110 = arith.cmpi slt, %parallel_loop3A_102, %parallel_loop3A_109 : i32
          %parallel_loop3A_111 = arith.extui %parallel_loop3A_110 : i1 to i32
          %parallel_loop3A_112 = arith.subi %parallel_loop3A_108, %parallel_loop3A_111 : i32
          %parallel_loop3A_113 = arith.constant 0 : i32
          %parallel_loop3A_114 = arith.cmpi sgt, %parallel_loop3A_104, %parallel_loop3A_113 : i32
          %parallel_loop3A_115 = arith.extui %parallel_loop3A_114 : i1 to i32
          %parallel_loop3A_116 = arith.constant 0 : i32
          %parallel_loop3A_117 = arith.cmpi slt, %parallel_loop3A_104, %parallel_loop3A_116 : i32
          %parallel_loop3A_118 = arith.extui %parallel_loop3A_117 : i1 to i32
          %parallel_loop3A_119 = arith.subi %parallel_loop3A_115, %parallel_loop3A_118 : i32
          %parallel_loop3A_120 = arith.cmpi ne, %parallel_loop3A_112, %parallel_loop3A_119 : i32
          %parallel_loop3A_121 = arith.remsi %parallel_loop3A_102, %parallel_loop3A_104 : i32
          %parallel_loop3A_122 = arith.constant 0 : i32
          %parallel_loop3A_123 = arith.cmpi ne, %parallel_loop3A_121, %parallel_loop3A_122 : i32
          %parallel_loop3A_124 = arith.andi %parallel_loop3A_120, %parallel_loop3A_123 : i1
          %parallel_loop3A_125 = arith.constant 1 : i32
          %parallel_loop3A_126 = arith.subi %parallel_loop3A_105, %parallel_loop3A_125 : i32
          %parallel_loop3A_127 = arith.select %parallel_loop3A_124, %parallel_loop3A_126, %parallel_loop3A_105 : i32
          %parallel_loop3A_128 = arith.constant 128 : i32
          %parallel_loop3A_129 = arith.constant 0 : i32
          %parallel_loop3A_130 = arith.cmpi eq, %parallel_loop3A_128, %parallel_loop3A_129 : i32
          %parallel_loop3A_131 = arith.constant 1 : i32
          %parallel_loop3A_132 = arith.select %parallel_loop3A_130, %parallel_loop3A_131, %parallel_loop3A_128 : i32
          %parallel_loop3A_133 = arith.remsi %parallel_loop3A_102, %parallel_loop3A_132 : i32
          %parallel_loop3A_134 = arith.constant 0 : i32
          %parallel_loop3A_135 = arith.cmpi ne, %parallel_loop3A_133, %parallel_loop3A_134 : i32
          %parallel_loop3A_136 = arith.constant 0 : i32
          %parallel_loop3A_137 = arith.cmpi slt, %parallel_loop3A_133, %parallel_loop3A_136 : i32
          %parallel_loop3A_138 = arith.constant 0 : i32
          %parallel_loop3A_139 = arith.cmpi slt, %parallel_loop3A_132, %parallel_loop3A_138 : i32
          %parallel_loop3A_140 = arith.xori %parallel_loop3A_137, %parallel_loop3A_139 : i1
          %parallel_loop3A_141 = arith.andi %parallel_loop3A_140, %parallel_loop3A_135 : i1
          %parallel_loop3A_142 = arith.addi %parallel_loop3A_133, %parallel_loop3A_132 : i32
          %parallel_loop3A_143 = arith.select %parallel_loop3A_141, %parallel_loop3A_142, %parallel_loop3A_133 : i32
          %parallel_loop3A_144 = arith.index_cast %parallel_loop3A_127 : i32 to index
          %parallel_loop3A_145 = arith.index_cast %parallel_loop3A_143 : i32 to index
          %parallel_loop3A_146 = tpu.vector_load %arg7[%parallel_loop3A_144, %parallel_loop3A_145] {strides = array<i32>} : memref<128x128xf32, #tpu.memory_space<vmem>>, vector<16xf32>,
          tpu.vector_store %arg7[%parallel_loop3A_144, %parallel_loop3A_145], %parallel_loop3A_103 {strides = array<i32>} : memref<128x128xf32, #tpu.memory_space<vmem>>, vector<16xf32>,
          %parallel_loop3A_147 = arith.constant 32 : i32
          %parallel_loop3A_148 = arith.muli %parallel_loop3A_94, %parallel_loop3A_147 : i32
          %parallel_loop3A_149 = arith.constant 16 : i32
          %parallel_loop3A_150 = arith.addi %parallel_loop3A_148, %parallel_loop3A_149 : i32
          %parallel_loop3A_151 = tpu.vector_load_idx %arg5[%add3A_3, %parallel_loop3A_98] : memref<32x512xf32, #tpu.memory_space<vmem>>[vector<16xi32>, vector<16xi32>], vector<16xf32>,
          %parallel_loop3A_152 = arith.constant 128 : i32
          %parallel_loop3A_153 = arith.divsi %parallel_loop3A_150, %parallel_loop3A_152 : i32
          %parallel_loop3A_154 = arith.constant 0 : i32
          %parallel_loop3A_155 = arith.cmpi sgt, %parallel_loop3A_150, %parallel_loop3A_154 : i32
          %parallel_loop3A_156 = arith.extui %parallel_loop3A_155 : i1 to i32
          %parallel_loop3A_157 = arith.constant 0 : i32
          %parallel_loop3A_158 = arith.cmpi slt, %parallel_loop3A_150, %parallel_loop3A_157 : i32
          %parallel_loop3A_159 = arith.extui %parallel_loop3A_158 : i1 to i32
          %parallel_loop3A_160 = arith.subi %parallel_loop3A_156, %parallel_loop3A_159 : i32
          %parallel_loop3A_161 = arith.constant 0 : i32
          %parallel_loop3A_162 = arith.cmpi sgt, %parallel_loop3A_152, %parallel_loop3A_161 : i32
          %parallel_loop3A_163 = arith.extui %parallel_loop3A_162 : i1 to i32
          %parallel_loop3A_164 = arith.constant 0 : i32
          %parallel_loop3A_165 = arith.cmpi slt, %parallel_loop3A_152, %parallel_loop3A_164 : i32
          %parallel_loop3A_166 = arith.extui %parallel_loop3A_165 : i1 to i32
          %parallel_loop3A_167 = arith.subi %parallel_loop3A_163, %parallel_loop3A_166 : i32
          %parallel_loop3A_168 = arith.cmpi ne, %parallel_loop3A_160, %parallel_loop3A_167 : i32
          %parallel_loop3A_169 = arith.remsi %parallel_loop3A_150, %parallel_loop3A_152 : i32
          %parallel_loop3A_170 = arith.constant 0 : i32
          %parallel_loop3A_171 = arith.cmpi ne, %parallel_loop3A_169, %parallel_loop3A_170 : i32
          %parallel_loop3A_172 = arith.andi %parallel_loop3A_168, %parallel_loop3A_171 : i1
          %parallel_loop3A_173 = arith.constant 1 : i32
          %parallel_loop3A_174 = arith.subi %parallel_loop3A_153, %parallel_loop3A_173 : i32
          %parallel_loop3A_175 = arith.select %parallel_loop3A_172, %parallel_loop3A_174, %parallel_loop3A_153 : i32
          %parallel_loop3A_176 = arith.constant 128 : i32
          %parallel_loop3A_177 = arith.constant 0 : i32
          %parallel_loop3A_178 = arith.cmpi eq, %parallel_loop3A_176, %parallel_loop3A_177 : i32
          %parallel_loop3A_179 = arith.constant 1 : i32
          %parallel_loop3A_180 = arith.select %parallel_loop3A_178, %parallel_loop3A_179, %parallel_loop3A_176 : i32
          %parallel_loop3A_181 = arith.remsi %parallel_loop3A_150, %parallel_loop3A_180 : i32
          %parallel_loop3A_182 = arith.constant 0 : i32
          %parallel_loop3A_183 = arith.cmpi ne, %parallel_loop3A_181, %parallel_loop3A_182 : i32
          %parallel_loop3A_184 = arith.constant 0 : i32
          %parallel_loop3A_185 = arith.cmpi slt, %parallel_loop3A_181, %parallel_loop3A_184 : i32
          %parallel_loop3A_186 = arith.constant 0 : i32
          %parallel_loop3A_187 = arith.cmpi slt, %parallel_loop3A_180, %parallel_loop3A_186 : i32
          %parallel_loop3A_188 = arith.xori %parallel_loop3A_185, %parallel_loop3A_187 : i1
          %parallel_loop3A_189 = arith.andi %parallel_loop3A_188, %parallel_loop3A_183 : i1
          %parallel_loop3A_190 = arith.addi %parallel_loop3A_181, %parallel_loop3A_180 : i32
          %parallel_loop3A_191 = arith.select %parallel_loop3A_189, %parallel_loop3A_190, %parallel_loop3A_181 : i32
          %parallel_loop3A_192 = arith.index_cast %parallel_loop3A_175 : i32 to index
          %parallel_loop3A_193 = arith.index_cast %parallel_loop3A_191 : i32 to index
          %parallel_loop3A_194 = tpu.vector_load %arg7[%parallel_loop3A_192, %parallel_loop3A_193] {strides = array<i32>} : memref<128x128xf32, #tpu.memory_space<vmem>>, vector<16xf32>,
          tpu.vector_store %arg7[%parallel_loop3A_192, %parallel_loop3A_193], %parallel_loop3A_151 {strides = array<i32>} : memref<128x128xf32, #tpu.memory_space<vmem>>, vector<16xf32>,
        } {sc.loop_unroll_factor = 16 : i64, sc.parallel_access}
        %mul3A_89 = arith.constant 128 : i32
        %mul3A_90 = arith.muli %add3A_50, %mul3A_89 : i32
        %dma_start3A = arith.constant 0 : i32
        %dma_start3A_91 = tpu.memref_slice %arg4[%mul3A_90, %dma_start3A] : memref<250000x128xf32, #tpu.memory_space<hbm>> -> memref<128x128xf32, #tpu.memory_space<hbm>>
        %dma_start3A_92 = arith.constant 0 : i32
        %dma_start3A_93 = tpu.memref_slice %arg4[%mul3A_90, %dma_start3A_92] : memref<250000x128xf32, #tpu.memory_space<hbm>> -> memref<128x128xf32, #tpu.memory_space<hbm>>
        tpu.enqueue_dma source(%arg7 : memref<128x128xf32, #tpu.memory_space<vmem>>) target(%dma_start3A_93 : memref<128x128xf32, #tpu.memory_space<hbm>>) target_semaphore(%arg11 : memref<!tpu.dma_semaphore, #tpu.memory_space<semaphore_mem>>)
      } else {
      }
      %mul3A_56 = arith.constant 2 : i32
      %mul3A_57 = arith.muli %scan3A_33, %mul3A_56 : i32
      %add3A_58 = arith.constant 1 : i32
      %add3A_59 = arith.addi %mul3A_57, %add3A_58 : i32
      %add3A_60 = arith.constant 1 : i32
      %add3A_61 = arith.addi %add3A_59, %add3A_60 : i32
      %mul3A_62 = arith.constant 32 : i32
      %mul3A_63 = arith.muli %add3A_61, %mul3A_62 : i32
      %add3A_64 = arith.addi %mul3A_63, %add3A : i32
      %lt3A_65 = arith.constant 1953 : i32
      %lt3A_66 = arith.cmpi slt, %add3A_64, %lt3A_65 : i32
      %convert_element_type3A_67 = arith.extui %lt3A_66 : i1 to i32
      %cond3A_68 = arith.constant 0 : i32
      %cond3A_69 = arith.cmpi ne, %convert_element_type3A_67, %cond3A_68 : i32
      scf.if %cond3A_69 {
        %mul3A_78 = arith.constant 512 : i32
        %mul3A_79 = arith.muli %add3A_64, %mul3A_78 : i32
        %dma_start3A = arith.constant 0 : i32
        %dma_start3A_80 = tpu.memref_slice %arg2[%dma_start3A, %mul3A_79] : memref<32x1000000xf32, #tpu.memory_space<hbm>> -> memref<32x512xf32, #tpu.memory_space<hbm>>
        %dma_start3A_81 = arith.constant 0 : i32
        %dma_start3A_82 = tpu.memref_slice %arg2[%dma_start3A_81, %mul3A_79] : memref<32x1000000xf32, #tpu.memory_space<hbm>> -> memref<32x512xf32, #tpu.memory_space<hbm>>
        tpu.enqueue_dma source(%dma_start3A_82 : memref<32x512xf32, #tpu.memory_space<hbm>>) target(%arg5 : memref<32x512xf32, #tpu.memory_space<vmem>>) target_semaphore(%arg9 : memref<!tpu.dma_semaphore, #tpu.memory_space<semaphore_mem>>)
      } else {
      }
      %mul3A_70 = arith.constant 32 : i32
      %mul3A_71 = arith.muli %add3A_59, %mul3A_70 : i32
      %add3A_72 = arith.addi %mul3A_71, %add3A : i32
      %lt3A_73 = arith.constant 1953 : i32
      %lt3A_74 = arith.cmpi slt, %add3A_72, %lt3A_73 : i32
      %convert_element_type3A_75 = arith.extui %lt3A_74 : i1 to i32
      %cond3A_76 = arith.constant 0 : i32
      %cond3A_77 = arith.cmpi ne, %convert_element_type3A_75, %cond3A_76 : i32
      scf.if %cond3A_77 {
        %dma_wait3A = arith.constant 0 : i32
        %dma_wait3A_78 = arith.constant 0 : i32
        %dma_wait3A_79 = tpu.memref_slice %arg2[%dma_wait3A, %dma_wait3A_78] : memref<32x1000000xf32, #tpu.memory_space<hbm>> -> memref<32x512xf32, #tpu.memory_space<hbm>>
        %dma_wait3A_80 = arith.constant 0 : i32
        %dma_wait3A_81 = arith.constant 0 : i32
        %dma_wait3A_82 = tpu.memref_slice %arg2[%dma_wait3A_80, %dma_wait3A_81] : memref<32x1000000xf32, #tpu.memory_space<hbm>> -> memref<32x512xf32, #tpu.memory_space<hbm>>
        tpu.wait_dma2 semaphore(%arg10 : memref<!tpu.dma_semaphore, #tpu.memory_space<semaphore_mem>>) src(%dma_wait3A_82 : memref<32x512xf32, #tpu.memory_space<hbm>>) dst(%arg6 : memref<32x512xf32, #tpu.memory_space<vmem>>)
        %ge3A = arith.constant 2 : i32
        %ge3A_83 = arith.cmpi sge, %add3A_59, %ge3A : i32
        %convert_element_type3A_84 = arith.extui %ge3A_83 : i1 to i32
        %cond3A_85 = arith.constant 0 : i32
        %cond3A_86 = arith.cmpi ne, %convert_element_type3A_84, %cond3A_85 : i32
        scf.if %cond3A_86 {
          %dma_wait3A_94 = arith.constant 0 : i32
          %dma_wait3A_95 = arith.constant 0 : i32
          %dma_wait3A_96 = tpu.memref_slice %arg4[%dma_wait3A_94, %dma_wait3A_95] : memref<250000x128xf32, #tpu.memory_space<hbm>> -> memref<128x128xf32, #tpu.memory_space<hbm>>
          %dma_wait3A_97 = arith.constant 0 : i32
          %dma_wait3A_98 = arith.constant 0 : i32
          %dma_wait3A_99 = tpu.memref_slice %arg4[%dma_wait3A_97, %dma_wait3A_98] : memref<250000x128xf32, #tpu.memory_space<hbm>> -> memref<128x128xf32, #tpu.memory_space<hbm>>
          tpu.wait_dma2 semaphore(%arg12 : memref<!tpu.dma_semaphore, #tpu.memory_space<semaphore_mem>>) src(%arg8 : memref<128x128xf32, #tpu.memory_space<vmem>>) dst(%dma_wait3A_99 : memref<128x128xf32, #tpu.memory_space<hbm>>)
        } else {
        }
        %parallel_loop3A = arith.constant 0 : i32
        %parallel_loop3A_87 = arith.constant 512 : i32
        %parallel_loop3A_88 = arith.constant 1 : i32
        scf.for %parallel_loop3A_94 = %parallel_loop3A to %parallel_loop3A_87 step %parallel_loop3A_88  : i32 {
          %parallel_loop3A_95 = arith.constant 0 : i32
          %parallel_loop3A_96 = vector.broadcast %parallel_loop3A_95 : i32 to vector<16xi32>
          %parallel_loop3A_97 = vector.broadcast %parallel_loop3A_94 : i32 to vector<16xi32>
          %parallel_loop3A_98 = arith.addi %parallel_loop3A_96, %parallel_loop3A_97 : vector<16xi32>
          %parallel_loop3A_99 = arith.constant 32 : i32
          %parallel_loop3A_100 = arith.muli %parallel_loop3A_94, %parallel_loop3A_99 : i32
          %parallel_loop3A_101 = arith.constant 0 : i32
          %parallel_loop3A_102 = arith.addi %parallel_loop3A_100, %parallel_loop3A_101 : i32
          %parallel_loop3A_103 = tpu.vector_load_idx %arg6[%iota3A, %parallel_loop3A_98] : memref<32x512xf32, #tpu.memory_space<vmem>>[vector<16xi32>, vector<16xi32>], vector<16xf32>,
          %parallel_loop3A_104 = arith.constant 128 : i32
          %parallel_loop3A_105 = arith.divsi %parallel_loop3A_102, %parallel_loop3A_104 : i32
          %parallel_loop3A_106 = arith.constant 0 : i32
          %parallel_loop3A_107 = arith.cmpi sgt, %parallel_loop3A_102, %parallel_loop3A_106 : i32
          %parallel_loop3A_108 = arith.extui %parallel_loop3A_107 : i1 to i32
          %parallel_loop3A_109 = arith.constant 0 : i32
          %parallel_loop3A_110 = arith.cmpi slt, %parallel_loop3A_102, %parallel_loop3A_109 : i32
          %parallel_loop3A_111 = arith.extui %parallel_loop3A_110 : i1 to i32
          %parallel_loop3A_112 = arith.subi %parallel_loop3A_108, %parallel_loop3A_111 : i32
          %parallel_loop3A_113 = arith.constant 0 : i32
          %parallel_loop3A_114 = arith.cmpi sgt, %parallel_loop3A_104, %parallel_loop3A_113 : i32
          %parallel_loop3A_115 = arith.extui %parallel_loop3A_114 : i1 to i32
          %parallel_loop3A_116 = arith.constant 0 : i32
          %parallel_loop3A_117 = arith.cmpi slt, %parallel_loop3A_104, %parallel_loop3A_116 : i32
          %parallel_loop3A_118 = arith.extui %parallel_loop3A_117 : i1 to i32
          %parallel_loop3A_119 = arith.subi %parallel_loop3A_115, %parallel_loop3A_118 : i32
          %parallel_loop3A_120 = arith.cmpi ne, %parallel_loop3A_112, %parallel_loop3A_119 : i32
          %parallel_loop3A_121 = arith.remsi %parallel_loop3A_102, %parallel_loop3A_104 : i32
          %parallel_loop3A_122 = arith.constant 0 : i32
          %parallel_loop3A_123 = arith.cmpi ne, %parallel_loop3A_121, %parallel_loop3A_122 : i32
          %parallel_loop3A_124 = arith.andi %parallel_loop3A_120, %parallel_loop3A_123 : i1
          %parallel_loop3A_125 = arith.constant 1 : i32
          %parallel_loop3A_126 = arith.subi %parallel_loop3A_105, %parallel_loop3A_125 : i32
          %parallel_loop3A_127 = arith.select %parallel_loop3A_124, %parallel_loop3A_126, %parallel_loop3A_105 : i32
          %parallel_loop3A_128 = arith.constant 128 : i32
          %parallel_loop3A_129 = arith.constant 0 : i32
          %parallel_loop3A_130 = arith.cmpi eq, %parallel_loop3A_128, %parallel_loop3A_129 : i32
          %parallel_loop3A_131 = arith.constant 1 : i32
          %parallel_loop3A_132 = arith.select %parallel_loop3A_130, %parallel_loop3A_131, %parallel_loop3A_128 : i32
          %parallel_loop3A_133 = arith.remsi %parallel_loop3A_102, %parallel_loop3A_132 : i32
          %parallel_loop3A_134 = arith.constant 0 : i32
          %parallel_loop3A_135 = arith.cmpi ne, %parallel_loop3A_133, %parallel_loop3A_134 : i32
          %parallel_loop3A_136 = arith.constant 0 : i32
          %parallel_loop3A_137 = arith.cmpi slt, %parallel_loop3A_133, %parallel_loop3A_136 : i32
          %parallel_loop3A_138 = arith.constant 0 : i32
          %parallel_loop3A_139 = arith.cmpi slt, %parallel_loop3A_132, %parallel_loop3A_138 : i32
          %parallel_loop3A_140 = arith.xori %parallel_loop3A_137, %parallel_loop3A_139 : i1
          %parallel_loop3A_141 = arith.andi %parallel_loop3A_140, %parallel_loop3A_135 : i1
          %parallel_loop3A_142 = arith.addi %parallel_loop3A_133, %parallel_loop3A_132 : i32
          %parallel_loop3A_143 = arith.select %parallel_loop3A_141, %parallel_loop3A_142, %parallel_loop3A_133 : i32
          %parallel_loop3A_144 = arith.index_cast %parallel_loop3A_127 : i32 to index
          %parallel_loop3A_145 = arith.index_cast %parallel_loop3A_143 : i32 to index
          %parallel_loop3A_146 = tpu.vector_load %arg8[%parallel_loop3A_144, %parallel_loop3A_145] {strides = array<i32>} : memref<128x128xf32, #tpu.memory_space<vmem>>, vector<16xf32>,
          tpu.vector_store %arg8[%parallel_loop3A_144, %parallel_loop3A_145], %parallel_loop3A_103 {strides = array<i32>} : memref<128x128xf32, #tpu.memory_space<vmem>>, vector<16xf32>,
          %parallel_loop3A_147 = arith.constant 32 : i32
          %parallel_loop3A_148 = arith.muli %parallel_loop3A_94, %parallel_loop3A_147 : i32
          %parallel_loop3A_149 = arith.constant 16 : i32
          %parallel_loop3A_150 = arith.addi %parallel_loop3A_148, %parallel_loop3A_149 : i32
          %parallel_loop3A_151 = tpu.vector_load_idx %arg6[%add3A_3, %parallel_loop3A_98] : memref<32x512xf32, #tpu.memory_space<vmem>>[vector<16xi32>, vector<16xi32>], vector<16xf32>,
          %parallel_loop3A_152 = arith.constant 128 : i32
          %parallel_loop3A_153 = arith.divsi %parallel_loop3A_150, %parallel_loop3A_152 : i32
          %parallel_loop3A_154 = arith.constant 0 : i32
          %parallel_loop3A_155 = arith.cmpi sgt, %parallel_loop3A_150, %parallel_loop3A_154 : i32
          %parallel_loop3A_156 = arith.extui %parallel_loop3A_155 : i1 to i32
          %parallel_loop3A_157 = arith.constant 0 : i32
          %parallel_loop3A_158 = arith.cmpi slt, %parallel_loop3A_150, %parallel_loop3A_157 : i32
          %parallel_loop3A_159 = arith.extui %parallel_loop3A_158 : i1 to i32
          %parallel_loop3A_160 = arith.subi %parallel_loop3A_156, %parallel_loop3A_159 : i32
          %parallel_loop3A_161 = arith.constant 0 : i32
          %parallel_loop3A_162 = arith.cmpi sgt, %parallel_loop3A_152, %parallel_loop3A_161 : i32
          %parallel_loop3A_163 = arith.extui %parallel_loop3A_162 : i1 to i32
          %parallel_loop3A_164 = arith.constant 0 : i32
          %parallel_loop3A_165 = arith.cmpi slt, %parallel_loop3A_152, %parallel_loop3A_164 : i32
          %parallel_loop3A_166 = arith.extui %parallel_loop3A_165 : i1 to i32
          %parallel_loop3A_167 = arith.subi %parallel_loop3A_163, %parallel_loop3A_166 : i32
          %parallel_loop3A_168 = arith.cmpi ne, %parallel_loop3A_160, %parallel_loop3A_167 : i32
          %parallel_loop3A_169 = arith.remsi %parallel_loop3A_150, %parallel_loop3A_152 : i32
          %parallel_loop3A_170 = arith.constant 0 : i32
          %parallel_loop3A_171 = arith.cmpi ne, %parallel_loop3A_169, %parallel_loop3A_170 : i32
          %parallel_loop3A_172 = arith.andi %parallel_loop3A_168, %parallel_loop3A_171 : i1
          %parallel_loop3A_173 = arith.constant 1 : i32
          %parallel_loop3A_174 = arith.subi %parallel_loop3A_153, %parallel_loop3A_173 : i32
          %parallel_loop3A_175 = arith.select %parallel_loop3A_172, %parallel_loop3A_174, %parallel_loop3A_153 : i32
          %parallel_loop3A_176 = arith.constant 128 : i32
          %parallel_loop3A_177 = arith.constant 0 : i32
          %parallel_loop3A_178 = arith.cmpi eq, %parallel_loop3A_176, %parallel_loop3A_177 : i32
          %parallel_loop3A_179 = arith.constant 1 : i32
          %parallel_loop3A_180 = arith.select %parallel_loop3A_178, %parallel_loop3A_179, %parallel_loop3A_176 : i32
          %parallel_loop3A_181 = arith.remsi %parallel_loop3A_150, %parallel_loop3A_180 : i32
          %parallel_loop3A_182 = arith.constant 0 : i32
          %parallel_loop3A_183 = arith.cmpi ne, %parallel_loop3A_181, %parallel_loop3A_182 : i32
          %parallel_loop3A_184 = arith.constant 0 : i32
          %parallel_loop3A_185 = arith.cmpi slt, %parallel_loop3A_181, %parallel_loop3A_184 : i32
          %parallel_loop3A_186 = arith.constant 0 : i32
          %parallel_loop3A_187 = arith.cmpi slt, %parallel_loop3A_180, %parallel_loop3A_186 : i32
          %parallel_loop3A_188 = arith.xori %parallel_loop3A_185, %parallel_loop3A_187 : i1
          %parallel_loop3A_189 = arith.andi %parallel_loop3A_188, %parallel_loop3A_183 : i1
          %parallel_loop3A_190 = arith.addi %parallel_loop3A_181, %parallel_loop3A_180 : i32
          %parallel_loop3A_191 = arith.select %parallel_loop3A_189, %parallel_loop3A_190, %parallel_loop3A_181 : i32
          %parallel_loop3A_192 = arith.index_cast %parallel_loop3A_175 : i32 to index
          %parallel_loop3A_193 = arith.index_cast %parallel_loop3A_191 : i32 to index
          %parallel_loop3A_194 = tpu.vector_load %arg8[%parallel_loop3A_192, %parallel_loop3A_193] {strides = array<i32>} : memref<128x128xf32, #tpu.memory_space<vmem>>, vector<16xf32>,
          tpu.vector_store %arg8[%parallel_loop3A_192, %parallel_loop3A_193], %parallel_loop3A_151 {strides = array<i32>} : memref<128x128xf32, #tpu.memory_space<vmem>>, vector<16xf32>,
        } {sc.loop_unroll_factor = 16 : i64, sc.parallel_access}
        %mul3A_89 = arith.constant 128 : i32
        %mul3A_90 = arith.muli %add3A_72, %mul3A_89 : i32
        %dma_start3A = arith.constant 0 : i32
        %dma_start3A_91 = tpu.memref_slice %arg4[%mul3A_90, %dma_start3A] : memref<250000x128xf32, #tpu.memory_space<hbm>> -> memref<128x128xf32, #tpu.memory_space<hbm>>
        %dma_start3A_92 = arith.constant 0 : i32
        %dma_start3A_93 = tpu.memref_slice %arg4[%mul3A_90, %dma_start3A_92] : memref<250000x128xf32, #tpu.memory_space<hbm>> -> memref<128x128xf32, #tpu.memory_space<hbm>>
        tpu.enqueue_dma source(%arg8 : memref<128x128xf32, #tpu.memory_space<vmem>>) target(%dma_start3A_93 : memref<128x128xf32, #tpu.memory_space<hbm>>) target_semaphore(%arg12 : memref<!tpu.dma_semaphore, #tpu.memory_space<semaphore_mem>>)
      } else {
      }
    }
    %scan3A_18 = arith.constant 31 : i32
    %add3A_19 = arith.constant 1920 : i32
    %add3A_20 = arith.addi %add3A_19, %add3A : i32
    %lt3A_21 = arith.constant 1953 : i32
    %lt3A_22 = arith.cmpi slt, %add3A_20, %lt3A_21 : i32
    %convert_element_type3A_23 = arith.extui %lt3A_22 : i1 to i32
    %cond3A_24 = arith.constant 0 : i32
    %cond3A_25 = arith.cmpi ne, %convert_element_type3A_23, %cond3A_24 : i32
    scf.if %cond3A_25 {
      %dma_wait3A = arith.constant 0 : i32
      %dma_wait3A_33 = arith.constant 0 : i32
      %dma_wait3A_34 = tpu.memref_slice %arg4[%dma_wait3A, %dma_wait3A_33] : memref<250000x128xf32, #tpu.memory_space<hbm>> -> memref<128x128xf32, #tpu.memory_space<hbm>>
      %dma_wait3A_35 = arith.constant 0 : i32
      %dma_wait3A_36 = arith.constant 0 : i32
      %dma_wait3A_37 = tpu.memref_slice %arg4[%dma_wait3A_35, %dma_wait3A_36] : memref<250000x128xf32, #tpu.memory_space<hbm>> -> memref<128x128xf32, #tpu.memory_space<hbm>>
      tpu.wait_dma2 semaphore(%arg11 : memref<!tpu.dma_semaphore, #tpu.memory_space<semaphore_mem>>) src(%arg7 : memref<128x128xf32, #tpu.memory_space<vmem>>) dst(%dma_wait3A_37 : memref<128x128xf32, #tpu.memory_space<hbm>>)
    } else {
    }
    %add3A_26 = arith.constant 1952 : i32
    %add3A_27 = arith.addi %add3A_26, %add3A : i32
    %lt3A_28 = arith.constant 1953 : i32
    %lt3A_29 = arith.cmpi slt, %add3A_27, %lt3A_28 : i32
    %convert_element_type3A_30 = arith.extui %lt3A_29 : i1 to i32
    %cond3A_31 = arith.constant 0 : i32
    %cond3A_32 = arith.cmpi ne, %convert_element_type3A_30, %cond3A_31 : i32
    scf.if %cond3A_32 {
      %dma_wait3A = arith.constant 0 : i32
      %dma_wait3A_33 = arith.constant 0 : i32
      %dma_wait3A_34 = tpu.memref_slice %arg4[%dma_wait3A, %dma_wait3A_33] : memref<250000x128xf32, #tpu.memory_space<hbm>> -> memref<128x128xf32, #tpu.memory_space<hbm>>
      %dma_wait3A_35 = arith.constant 0 : i32
      %dma_wait3A_36 = arith.constant 0 : i32
      %dma_wait3A_37 = tpu.memref_slice %arg4[%dma_wait3A_35, %dma_wait3A_36] : memref<250000x128xf32, #tpu.memory_space<hbm>> -> memref<128x128xf32, #tpu.memory_space<hbm>>
      tpu.wait_dma2 semaphore(%arg12 : memref<!tpu.dma_semaphore, #tpu.memory_space<semaphore_mem>>) src(%arg8 : memref<128x128xf32, #tpu.memory_space<vmem>>) dst(%dma_wait3A_37 : memref<128x128xf32, #tpu.memory_space<hbm>>)
    } else {
    }
    return
  }
}

</mosaic_0001>

<sc_bundles>
// kernel: _detile_table.3.cloned.1.call-start
scs
__scs_entry_jumppad:
0x0: {  	(pc) =	sbr.rel $0x88, $3  }
0x1: {  	(tag) =	ssettag $0x0;
	lr =	simm.s32 $0x1  }
0x2: {  	[smem:$0x3F9F] =	sst lr;
	_ =	strace $0xD0000000  }
0x3: {  	_ = 	snop  }
0x4: {  	_ = 	snop  }
0x5: {  	_ = 	snop  }
0x6: {  	_ = 	snop  }
0x7: {  	_ = 	snop  }
__scs_overlays_trampoline_lowered:
0x8: {  	[smem:$0x3FAE] =	sst s0  }
0x9: {  	[smem:$0x3FAF] =	sst s1  }
0xa: {  	[smem:$0x3FB0] =	sst s2  }
0xb: {  	[smem:$0x3FB1] =	sst s3  }
0xc: {  	[smem:$0x3FB2] =	sst s4  }
0xd: {  	[smem:$0x3FB3] =	sst s5  }
0xe: {  	[smem:$0x3FB4] =	sst s6  }
0xf: {  	[smem:$0x3FB5] =	sst s7  }
0x10: {  	[smem:$0x3FB6] =	sst s8  }
0x11: {  	[smem:$0x3FB7] =	sst s9;
	s0 =	simm.s32 @!p0 $0x0  }
0x12: {  	s1 =	sld [smem:$0x3F9D];
	s0 =	simm.s32 @p0 $0x1  }
0x13: {  	[smem:$0x3FB8] =	sst s0;
	s0 =	simm.s32 @!p1 $0x0  }
0x14: {  	s2 =	sld [smem:$0x3F9C];
	s0 =	simm.s32 @p1 $0x1  }
0x15: {  	[smem:$0x3FB9] =	sst s0;
	s0 =	simm.s32 @!p2 $0x0  }
0x16: {  	s3 =	sld [smem:$0x3FDB];
	s0 =	simm.s32 @p2 $0x1  }
0x17: {  	s4 =	simm.s32 $0x1BF5;
	[smem:$0x3FBB] =	sst s0  }
0x18: {  	s0 =	sld [smem:$0x3F9E];
	_ =	swait.ge [sflag:s4], $0x0  }
0x19: {  	s7 =	sld [smem:$0x3F9F]  }
0x1a: {  	s8 =	sadd.s32 $0xFFFFE003, lr  }
0x1b: {  	s9 =	sadd.s32 $0xFFFFFEF7, lr;
	s5 =	simm.s32 $0xFFFFFFFF;
	p2 =	slt.u32 s8, $0xFFFFF086  }
0x1c: {  	p1 =	slt.u32 s9, $0xF7A;
	s5 =	simm.s32 @!p2 $0x0  }
0x1d: {  	s5 =	simm.s32 @p1 $0x1;
	p0 =	seq.s32 s7, s2  }
0x1e: {  	s7 =	smul.u32 @!p0 $0xF7A, s2;
	p2 =	seq.s32 @!p0 s5, $0x0  }
0x1f: {  	s9 =	smul.u32 $0xF7A, s1;
	s8 =	simm.s32 @!p0 $0x1BF5;
	p2 =	por !p2, p0  }
0x20: {  	[sflag:s8] =	ssyncset.s32 @!p0 $0xFFFFF086;
	s6 =	sadd.s32 @!p0 s3, s7;
	s7 =	simm.s32 @!p0 $0x108  }
0x21: {  	s3 =	sadd.s32 s3, s9;
	s6 =	sadd.s32 @!p0 $0x88, s6;
	s7 =	simm.s32 @p2 $0x1082  }
0x22: {  	[simem:s7], [sflag:s8] =	dma.local @!p0 [hbm:s6], $0xF7A  }
0x23: {  	s9 =	sor.u32 $0xD0000000, s2;
	s6 =	simm.s32 $0x108;
	_ =	swait.ge @!p0 [sflag:s8], $0x0  }
0x24: {  	s3 =	sadd.s32 $0x88, s3;
	s6 =	simm.s32 @!p1 $0x1082;
	[sflag:s4] =	ssyncset.s32 $0xFFFFF086  }
0x25: {  	[simem:s6], [sflag:s4] =	dma.local [hbm:s3], $0xF7A  }
0x26: {  	[smem:$0x3F9F] =	sst s1;
	(tag) =	ssettag s2;
	_ =	strace s9  }
0x27: {  	s1 =	sld [smem:$0x3FAF]  }
0x28: {  	s2 =	sld [smem:$0x3FB0]  }
0x29: {  	s4 =	sld [smem:$0x3FB2]  }
0x2a: {  	p0 =	seq.s32 s5, $0x0;
	s5 =	sld [smem:$0x3FB3]  }
0x2b: {  	s6 =	sld [smem:$0x3FB4]  }
0x2c: {  	s7 =	sld [smem:$0x3FB5]  }
0x2d: {  	s3 =	simm.s32 $0x108;
	s8 =	sld [smem:$0x3FB6]  }
0x2e: {  	s3 =	simm.s32 @!p0 $0x1082;
	s9 =	sld [smem:$0x3FB7]  }
0x2f: {  	lr =	sadd.s32 s0, s3;
	s0 =	sld [smem:$0x3FAE]  }
0x30: {  	s3 =	sld [smem:$0x3FB1]  }
0x31: {  	[smem:$0x3FBA] =	sst s10  }
0x32: {  	s10 =	sld [smem:$0x3FB8];
	_ =	sdelay $0x3  }
0x33: {  	p0 =	seq.s32 s10, $0x1;
	s10 =	sld [smem:$0x3FBA];
	_ =	sdelay $0x3  }
0x34: {  	[smem:$0x3FBA] =	sst s10  }
0x35: {  	s10 =	sld [smem:$0x3FB9];
	_ =	sdelay $0x3  }
0x36: {  	p1 =	seq.s32 s10, $0x1;
	s10 =	sld [smem:$0x3FBA];
	_ =	sdelay $0x3  }
0x37: {  	[smem:$0x3FBA] =	sst s10  }
0x38: {  	s10 =	sld [smem:$0x3FBB]  }
0x39: {  	_ = 	snop;
	(pc) =	sbr.ind lr, $3  }
0x3a: {  	_ = 	snop  }
0x3b: {  	_ = 	snop  }
0x3c: {  	p2 =	seq.s32 s10, $0x1;
	s10 =	sld [smem:$0x3FBA]  }
0x3d: {  	_ =	shalt  }
0x3e: {  	_ =	shalt  }
0x3f: {  	_ =	shalt  }
0x40: {  	_ =	shalt  }
0x41: {  	_ =	shalt  }
0x42: {  	_ =	shalt  }
0x43: {  	_ =	shalt  }
0x44: {  	_ =	shalt  }
0x45: {  	_ =	shalt  }
0x46: {  	_ =	shalt  }
0x47: {  	_ =	shalt  }
0x48: {  	_ =	shalt  }
0x49: {  	_ =	shalt  }
0x4a: {  	_ =	shalt  }
0x4b: {  	_ =	shalt  }
0x4c: {  	_ =	shalt  }
0x4d: {  	_ =	shalt  }
0x4e: {  	_ =	shalt  }
0x4f: {  	_ =	shalt  }
0x50: {  	_ =	shalt  }
0x51: {  	_ =	shalt  }
0x52: {  	_ =	shalt  }
0x53: {  	_ =	shalt  }
0x54: {  	_ =	shalt  }
0x55: {  	_ =	shalt  }
0x56: {  	_ =	shalt  }
0x57: {  	_ =	shalt  }
0x58: {  	_ =	shalt  }
0x59: {  	_ =	shalt  }
0x5a: {  	_ =	shalt  }
0x5b: {  	_ =	shalt  }
0x5c: {  	_ =	shalt  }
0x5d: {  	_ =	shalt  }
0x5e: {  	_ =	shalt  }
0x5f: {  	_ =	shalt  }
0x60: {  	_ =	shalt  }
0x61: {  	_ =	shalt  }
0x62: {  	_ =	shalt  }
0x63: {  	_ =	shalt  }
0x64: {  	_ =	shalt  }
0x65: {  	_ =	shalt  }
0x66: {  	_ =	shalt  }
0x67: {  	_ =	shalt  }
0x68: {  	_ =	shalt  }
0x69: {  	_ =	shalt  }
0x6a: {  	_ =	shalt  }
0x6b: {  	_ =	shalt  }
0x6c: {  	_ =	shalt  }
0x6d: {  	_ =	shalt  }
0x6e: {  	_ =	shalt  }
0x6f: {  	_ =	shalt  }
0x70: {  	_ =	shalt  }
0x71: {  	_ =	shalt  }
0x72: {  	_ =	shalt  }
0x73: {  	_ =	shalt  }
0x74: {  	_ =	shalt  }
0x75: {  	_ =	shalt  }
0x76: {  	_ =	shalt  }
0x77: {  	_ =	shalt  }
0x78: {  	_ =	shalt  }
0x79: {  	_ =	shalt  }
0x7a: {  	_ =	shalt  }
0x7b: {  	_ =	shalt  }
0x7c: {  	_ =	shalt  }
0x7d: {  	_ =	shalt  }
0x7e: {  	_ =	shalt  }
0x7f: {  	_ =	shalt  }
0x80: {  	_ =	shalt  }
0x81: {  	_ =	shalt  }
0x82: {  	_ =	shalt  }
0x83: {  	_ =	shalt  }
0x84: {  	_ =	shalt  }
0x85: {  	_ =	shalt  }
0x86: {  	_ =	shalt  }
0x87: {  	_ =	shalt  }
.Lfunc_end0:
.L_simem_size_0:
called_computation_lowered:
.L_overlay_start_0:
0x88: {  	s2 =	sld [smem:$0x3FD9]  }
0x89: {  	s3 =	sld [smem:$0x3FFE];
	_ =	sdelay $0x1  }
0x8a: {  	s1 =	srdreg.scid  }
0x8b: {  	s0 =	sand.u32 $0x1, s1  }
0x8c: {  	s18 =	sshll.u32 s0, $0xA;
	s2 =	sadd.s32 s3, s2  }
0x8d: {  	s2 =	sadd.s32 s2, s18  }
0x8e: {  	[smem:$0x3FC6] =	sst s2  }
0x8f: {  	_ = 	snop  }
0x90: {  	s2 =	sld [smem:$0x3FC9]  }
0x91: {  	s19 =	sld [smem:$0x3FC8]  }
0x92: {  	s4 =	sld [smem:$0x3FD0];
	(tm) =	ssettm $0x1  }
0x93: {  	s5 =	sld [smem:$0x3FFB];
	_ =	sdelay $0x3  }
0x94: {  	_ =	strace s5  }
0x95: {  	s5 =	sld [smem:$0x3FFC];
	_ =	sdelay $0x3  }
0x96: {  	_ =	strace s5  }
0x97: {  	s5 =	sld [smem:$0x3FFD];
	_ =	sdelay $0x3  }
0x98: {  	_ =	strace s5  }
0x99: {  	_ =	strace $0x8FFFFFFF  }
0x9a: {  	s20 =	sld [smem:$0x3FDB];
	_ =	sdelay $0x1  }
0x9b: {  	s6 =	simm.s32 $_scs_section_size  }
0x9c: {  	s7 =	simm.s32 $_size__tile_overlayer_lowered;
	s8 =	simm.s32 $_tile_overlayer_lowered  }
0x9d: {  	s23 =	simm.s32 $0x1BFF;
	s22 =	sshll.u32 s8, $0x1;
	s5 =	sadd.s32 s6, s20  }
0x9e: {  	s9 =	simm.s32 $0x0;
	s21 =	sshll.u32 s7, $0x1;
	s7 =	sadd.s32 s22, s5  }
0x9f: {  	[timem:s9], [sflag:s23] =	dma.local [hbm:s7], s21  }
0xa0: {  	_ =	swait.ge [sflag:s23], s21  }
0xa1: {  	s6 =	ssub.s32 $0x0, s21;
	[sflag:s23] =	ssyncset.done $0x0  }
0xa2: {  	[sflag:s23] =	ssyncadd.s32 s6;
	_ =	sdelay $0x1  }
0xa3: {  	s24 =	simm.s32 $0x1B8B  }
0xa4: {  	_ =	swait.ge [sflag:s24], $0x1  }
0xa5: {  	[sflag:s24] =	ssyncset.done $0x0  }
0xa6: {  	s25 =	simm.s32 $0x1B8E;
	[sflag:s24] =	ssyncadd.s32 $0xFFFFFFFF  }
0xa7: {  	s26 =	simm.s32 $execute0_lowered;
	[smem:$0x3FD2] =	sst s25  }
0xa8: {  	s6 =	sshll.u32 s26, $0x1;
	_ =	strace $0x80000046;
	[dreg:$0x1] =	wrdreg $0xFFFFFFFF  }
0xa9: {  	s28 =	simm.s32 $_size_execute0_lowered;
	s5 =	sadd.s32 s5, s6;
	[dreg:$0x0] =	wrdreg $0x0  }
0xaa: {  	s6 =	sshll.u32 s28, $0x1;
	[dreg:$0x2] =	wrdreg s5  }
0xab: {  	[dreg:$0x3] =	wrdreg s6  }
0xac: {  	[dreg:$0x4] =	wrdreg $0xC0  }
0xad: {  	_ =	task [dreg:s9], $0x5FFFF  }
0xae: {  	[dreg:$0x1] =	wrdreg $0xFFFFFFFF  }
0xaf: {  	[dreg:$0x0] =	wrdreg $0x60  }
0xb0: {  	[dreg:$0x2] =	wrdreg s2  }
0xb1: {  	[dreg:$0x3] =	wrdreg s19  }
0xb2: {  	[dreg:$0x4] =	wrdreg s4  }
0xb3: {  	[dreg:$0x5] =	wrdreg $0x9  }
0xb4: {  	_ =	task.clear_ibuf [dreg:s9], $0x6FFFF;
	_ =	strace $0x90000046  }
0xb5: {  	s29 =	simm.s32 $0x9;
	_ =	strace $0x80000048  }
0xb6: {  	_ =	swait.ge [sflag:s29], $0x1  }
0xb7: {  	[sflag:s29] =	ssyncadd.s32 $0xFFFFFFFF  }
0xb8: {  	_ =	strace $0x90000048  }
0xb9: {  	_ =	sfence  }
0xba: {  	s30 =	sld [smem:$0x0];
	_ =	sdelay $0x2  }
0xbb: {  	s31 =	sshll.u32 s1, $0xD;
	s1 =	sshrl.u32 s1, $0x2  }
0xbc: {  	s3 =	sand.u32 $0x4000, s31;
	s1 =	sadd.s32 s1, s30  }
0xbd: {  	s0 =	sor.u32 s3, s0;
	s1 =	sshll.u32 s1, $0x11  }
0xbe: {  	s0 =	sor.u32 s1, s0  }
0xbf: {  	s0 =	sadd.s32 $0x8F2B, s0  }
0xc0: {  	[sflag:s0] =	ssyncadd.remote.s32 $0x1  }
0xc1: {  	_ =	sfence.sel $0xFFFF  }
0xc2: {  	[dreg:$0x0] =	wrdreg $0xFFFFFFFF;
	(pc) =	sbr.abs _section_cstart, $3  }
0xc3: {  	[dreg:$0x1] =	wrdreg $0xFFFFFFFF  }
0xc4: {  	_ =	task.clear_ibuf [dreg:s9], $0x2FFFF;
	_ =	strace $0x9FFFFFFF  }
0xc5: {  	(tm) =	ssettm $0x7FFFFFFF  }
tec
execute0_lowered:
.L_overlay_start_1:
0x0: {  	(tag) =	ssettag $0x1  }
0x1: {  	v0 =	vimm.s32 $0x1380;
	vm0 =	vcmask $0x300;
	v1 =	vimm.s32 $0x3380  }
0x2: {  	vm1 =	vcmask $0x704;
	v0 =	vsel vm0, $0x0, v0;
	v1 =	vsel vm0, $0x2000, v1  }
0x3: {  	vm15 =	vcmask $0xB08;
	s0 =	rddreg [dreg:$0x0];
	v0 =	vsel vm1, $0x80, v0;
	v1 =	vsel vm1, $0x2080, v1  }
0x4: {  	vm4 =	vcmask $0xF0C;
	s1 =	rddreg [dreg:$0x1];
	v0 =	vsel vm15, $0x100, v0;
	v1 =	vsel vm15, $0x2100, v1  }
0x5: {  	vm5 =	vcmask $0x1310;
	s3 =	rddreg [dreg:$0x2];
	v0 =	vsel vm4, $0x180, v0;
	v1 =	vsel vm4, $0x2180, v1  }
0x6: {  	vm6 =	vcmask $0x1714;
	s2 =	rddreg [dreg:$0x3];
	v0 =	vsel vm5, $0x200, v0;
	v1 =	vsel vm5, $0x2200, v1  }
0x7: {  	s4 =	simm.s32 $0x0;
	s6 =	srdreg.scid;
	vm7 =	vcmask $0x1B18;
	s5 =	stileid.u32;
	v0 =	vsel vm6, $0x280, v0;
	v1 =	vsel vm6, $0x2280, v1  }
0x8: {  	vm8 =	vcmask $0x1F1C;
	s12 =	simm.s32 $0x1000;
	s13 =	simm.s32 $0x7A1400;
	s14 =	simm.s32 $0x1;
	v0 =	vsel vm7, $0x300, v0;
	v1 =	vsel vm7, $0x2300, v1  }
0x9: {  	vm9 =	vcmask $0x2320;
	s15 =	simm.s32 $0x8000;
	s16 =	simm.s32 $0x2;
	s17 =	simm.s32 $0x4000;
	v0 =	vsel vm8, $0x380, v0;
	v1 =	vsel vm8, $0x2380, v1  }
0xa: {  	vm10 =	vcmask $0x2724;
	s18 =	simm.s32 $0xC000;
	s19 =	simm.s32 $0x3;
	s20 =	simm.s32 $0x0;
	v0 =	vsel vm9, $0x1000, v0;
	v1 =	vsel vm9, $0x3000, v1  }
0xb: {  	vm11 =	vcmask $0x2B28;
	[smem:$0x7FF] =	sst s4;
	s6 =	sand.u32 $0x1, s6;
	s7 =	sshll.u32 s5, $0x1;
	v0 =	vsel vm10, $0x1080, v0;
	v1 =	vsel vm10, $0x3080, v1  }
.Ltmp0:
0xc: {  	vm12 =	vcmask $0x2F2C;
	_ =	strace $0x80000047;
	s8 =	ssub.s32 $0x2, s6;
	v0 =	vsel vm11, $0x1100, v0;
	v1 =	vsel vm11, $0x3100, v1;
	(pc) =	sbr.rel .LBB2_1-.Ltmp0, $4  }
0xd: {  	vm13 =	vcmask $0x3330;
	s6 =	sor.u32 s6, s7;
	s7 =	sadd.s32 $0x3D0800, s3;
	s9 =	sshrl.u32 s8, $0x1;
	v0 =	vsel vm12, $0x1180, v0;
	v1 =	vsel vm12, $0x3180, v1  }
0xe: {  	vm14 =	vcmask $0x3734;
	s31 =	sshll.u32 s6, $0x9;
	p0 =	sne.s32 s6, $0x1F;
	p1 =	sne.s32 s6, $0x0;
	v0 =	vsel vm13, $0x1200, v0;
	v1 =	vsel vm13, $0x3200, v1  }
0xf: {  	vm15 =	vcmask $0x3B38;
	s10 =	ssub.s32 s8, s9;
	s8 =	sadd.s32 s0, s31;
	s11 =	sshll.u32 @!p0 s5, $0x6;
	v0 =	vsel vm14, $0x1280, v0;
	v1 =	vsel vm14, $0x3280, v1  }
0x10: {  	s9 =	sor.u32 $0x40, s6;
	s10 =	smax.u32 s10, $0x1;
	s11 =	sor.u32 @!p0 $0x1C05, s11;
	v0 =	vsel vm15, $0x1300, v0;
	v1 =	vsel vm15, $0x3300, v1  }
.LBB2_9:
0x11: {  	s20 =	sadd.s32 $0x1, s20  }
0x12: {  	_ =	swait.ge [sflag:s19], $0x4000;
	p2 =	sne.s32 s20, s10  }
.Ltmp1:
0x13: {  	[sflag:s19] =	ssyncset.done $0x0;
	(pc) =	sbr.rel @!p2 .LBB2_10-.Ltmp1, $4  }
0x14: {  	s21 =	simm.s32 @!p1 $0x4;
	[sflag:s19] =	ssyncadd.s32 $0xFFFFC000  }
0x15: {  	_ =	swait.ge @!p1 [sflag:s21], $0x4000  }
0x16: {  	[sflag:s21] =	ssyncset.done @!p1 $0x0  }
0x17: {  	[sflag:s21] =	ssyncadd.s32 @!p1 $0xFFFFC000  }
.LBB2_1:
0x18: {  	[hbm:s7], [sflag:s11] =	dma.local @!p0 [hbm:s1], $0x100  }
.Ltmp2:
0x19: {  	s21 =	simm.s32 @!p0 $0x5;
	(pc) =	sbr.rel .LBB2_2-.Ltmp2, $4  }
0x1a: {  	_ =	swait.ge @!p0 [sflag:s21], $0x100  }
0x1b: {  	[sflag:s21] =	ssyncset.done @!p0 $0x0  }
0x1c: {  	[sflag:s21] =	ssyncadd.s32 @!p0 $0xFFFFFF00;
	s21 =	simm.s32 $0x0  }
0x1d: {  	[tilespmem:s4], [sflag:$0x1] =	stream.strided.gather [hbm4b:s8+s12], $0x4000, s13, s12, $0x38;
	[tilespmem:$0x10000] =	vst v63  }
.LBB2_8:
0x1e: {  	s21 =	sadd.s32 $0x1, s21  }
0x1f: {  	p2 =	sne.s32 s21, $0x1F  }
.Ltmp3:
0x20: {  	_ = 	snop;
	(pc) =	sbr.rel @!p2 .LBB2_9-.Ltmp3, $1  }
0x21: {  	_ =	sdelay $0x3  }
.LBB2_2:
0x22: {  	s22 =	simm.s32 $0x0  }
0x23: {  	s30 =	simm.s32 $0x1;
	s23 =	simm.s32 $0x2;
	s31 =	simm.s32 $0x3;
	v2 =	vmov s22  }
0x24: {  	s24 =	simm.s32 $0x4;
	s25 =	simm.s32 $0x7;
	s26 =	simm.s32 $0x8;
	v4 =	vmov s30;
	v5 =	vmov s23;
	v6 =	vmov s31  }
0x25: {  	v7 =	vmov s24;
	s23 =	simm.s32 $0x5;
	v10 =	vmov s25;
	v11 =	vmov s26  }
0x26: {  	s24 =	simm.s32 $0x6;
	s30 =	simm.s32 $0x9;
	s31 =	simm.s32 $0xA;
	v3 =	vand.u32 $0x70, v2;
	v2 =	vshll.u32 v2, $0x3;
	v8 =	vmov s23  }
0x27: {  	s25 =	simm.s32 $0xB;
	s26 =	simm.s32 $0xC;
	v9 =	vmov s24;
	v12 =	vmov s30;
	v13 =	vmov s31  }
0x28: {  	v14 =	vmov s25;
	v15 =	vmov s26;
	v17 =	vand.u32 $0x71, v4  }
0x29: {  	v18 =	vand.u32 $0x72, v5;
	v19 =	vand.u32 $0x73, v6;
	v20 =	vand.u32 $0x74, v7  }
0x2a: {  	v23 =	vand.u32 $0x77, v10;
	v24 =	vand.u32 $0x78, v11;
	v4 =	vshll.u32 v4, $0x3  }
0x2b: {  	s30 =	simm.s32 $0xD;
	v5 =	vshll.u32 v5, $0x3;
	v6 =	vshll.u32 v6, $0x3;
	v7 =	vshll.u32 v7, $0x3  }
0x2c: {  	v10 =	vshll.u32 v10, $0x3;
	v11 =	vshll.u32 v11, $0x3;
	v16 =	vmov s30  }
0x2d: {  	v2 =	vand.u32 $0xC00, v2;
	v21 =	vand.u32 $0x75, v8;
	v22 =	vand.u32 $0x76, v9  }
0x2e: {  	v25 =	vand.u32 $0x79, v12;
	v26 =	vand.u32 $0x7A, v13;
	v27 =	vand.u32 $0x7B, v14  }
0x2f: {  	v28 =	vand.u32 $0x7C, v15;
	v8 =	vshll.u32 v8, $0x3;
	v9 =	vshll.u32 v9, $0x3  }
0x30: {  	s23 =	sshll.u32 s21, $0x6;
	v12 =	vshll.u32 v12, $0x3;
	v13 =	vshll.u32 v13, $0x3;
	v14 =	vshll.u32 v14, $0x3  }
0x31: {  	s24 =	sor.u32 s6, s23;
	v15 =	vshll.u32 v15, $0x3;
	v5 =	vand.u32 $0xC00, v5;
	v6 =	vand.u32 $0xC00, v6  }
0x32: {  	v7 =	vand.u32 $0xC00, v7;
	v10 =	vand.u32 $0xC00, v10;
	v11 =	vand.u32 $0xC00, v11;
	s22 =	sor.u32 $0x20, s24  }
0x33: {  	v29 =	vand.u32 $0x7D, v16;
	v2 =	vor.u32 v3, v2;
	v3 =	vand.u32 $0xC00, v4;
	p3 =	sgt.u32 s22, $0x7A0  }
0x34: {  	v4 =	vshll.u32 v16, $0x3;
	v8 =	vand.u32 $0xC00, v8;
	v5 =	vor.u32 v18, v5;
	s25 =	sshll.u32 @!p3 s22, $0x9;
	s26 =	simm.s32 @!p3 $0x1000  }
0x35: {  	v9 =	vand.u32 $0xC00, v9;
	v6 =	vor.u32 v19, v6;
	v7 =	vor.u32 v20, v7;
	s28 =	simm.s32 @!p3 $0x7A1400;
	s29 =	simm.s32 @!p3 $0x4000;
	s25 =	sadd.s32 @!p3 s0, s25  }
0x36: {  	v10 =	vor.u32 v23, v10;
	v11 =	vor.u32 v24, v11;
	v12 =	vand.u32 $0xC00, v12;
	[tilespmem:s29], [sflag:$0x2] =	stream.strided.gather @!p3 [hbm4b:s25+s26], $0x4000, s28, s26, $0x38;
	[tilespmem:$0x10000] =	vst v63  }
0x37: {  	s30 =	simm.s32 $0x11;
	v13 =	vand.u32 $0xC00, v13;
	v14 =	vand.u32 $0xC00, v14;
	v15 =	vand.u32 $0xC00, v15;
	_ =	swait.ge [sflag:s14], $0x4000  }
0x38: {  	p2 =	seq.s32 s21, $0x0;
	v34 =	vmov s30;
	v16 =	vor.u32 v0, v2;
	v3 =	vor.u32 v17, v3;
	[sflag:s14] =	ssyncset.done $0x0  }
0x39: {  	s31 =	simm.s32 $0xF;
	v18 =	vor.u32 v0, v5;
	v19 =	vor.u32 v0, v6;
	v17 =	vor.u32 v0, v3;
	s26 =	simm.s32 @!p2 $0x3;
	[sflag:s14] =	ssyncadd.s32 $0xFFFFC000  }
0x3a: {  	v20 =	vor.u32 v21, v8;
	v21 =	vor.u32 v0, v7;
	v8 =	vmov s31;
	_ =	swait.ge @!p2 [sflag:s26], $0x4000  }
0x3b: {  	v9 =	vor.u32 v22, v9;
	v31 =	vor.u32 v0, v10;
	v23 =	vshll.u32 v8, $0x3;
	[sflag:s26] =	ssyncset.done @!p2 $0x0  }
0x3c: {  	v24 =	vor.u32 v0, v11;
	v8 =	vand.u32 $0x7F, v8;
	v23 =	vand.u32 $0xC00, v23;
	[sflag:s26] =	ssyncadd.s32 @!p2 $0xFFFFC000  }
0x3d: {  	v12 =	vor.u32 v25, v12;
	v22 =	vor.u32 v0, v20;
	v23 =	vor.u32 v8, v23;
	v8 =	vld.idx.msk [tilespmem:v16+s4+$0x0], $0xffff  }
0x3e: {  	v13 =	vor.u32 v26, v13;
	v14 =	vor.u32 v27, v14;
	v30 =	vor.u32 v0, v9;
	v17 =	vld.idx.msk [tilespmem:v17+s4+$0x0], $0xffff  }
0x3f: {  	v4 =	vand.u32 $0xC00, v4;
	v28 =	vor.u32 v28, v15;
	v5 =	vor.u32 v1, v5;
	v18 =	vld.idx.msk [tilespmem:v18+s4+$0x0], $0xffff  }
0x40: {  	v6 =	vor.u32 v1, v6;
	v7 =	vor.u32 v1, v7;
	v11 =	vor.u32 v1, v11;
	v19 =	vld.idx.msk [tilespmem:v19+s4+$0x0], $0xffff  }
0x41: {  	v48 =	vand.u32 $0x71, v34;
	v60 =	vor.u32 v1, v2;
	v25 =	vor.u32 v0, v12;
	v21 =	vld.idx.msk [tilespmem:v21+s4+$0x0], $0xffff  }
0x42: {  	s31 =	simm.s32 $0x13;
	v26 =	vor.u32 v0, v13;
	v27 =	vor.u32 v0, v14;
	v4 =	vor.u32 v29, v4;
	v22 =	vld.idx.msk [tilespmem:v22+s4+$0x0], $0xffff  }
0x43: {  	v15 =	vor.u32 v0, v28;
	v3 =	vor.u32 v1, v3;
	v36 =	vmov s31;
	v30 =	vld.idx.msk [tilespmem:v30+s4+$0x0], $0xffff  }
0x44: {  	v9 =	vor.u32 v1, v9;
	v12 =	vor.u32 v1, v12;
	v32 =	vor.u32 v0, v4;
	v31 =	vld.idx.msk [tilespmem:v31+s4+$0x0], $0xffff  }
0x45: {  	v13 =	vor.u32 v1, v13;
	v14 =	vor.u32 v1, v14;
	s26 =	simm.s32 $0x8100;
	v16 =	vor.u32 v0, v23;
	v24 =	vld.idx.msk [tilespmem:v24+s4+$0x0], $0xffff  }
0x46: {  	v55 =	vor.u32 v1, v28;
	v50 =	vand.u32 $0x73, v36;
	v56 =	vor.u32 v1, v4;
	s25 =	simm.s32 $0x10;
	s28 =	simm.s32 $0x12;
	v25 =	vld.idx.msk [tilespmem:v25+s4+$0x0], $0xffff;
	[tilespmem:s26+$0xFFFFFF20] =	vst v17  }
0x47: {  	v63 =	vshll.u32 v36, $0x3;
	s29 =	simm.s32 $0xE;
	v29 =	vmov s25;
	v35 =	vmov s28;
	v26 =	vld.idx.msk [tilespmem:v26+s4+$0x0], $0xffff;
	[tilespmem:s26+$0xFFFFFF40] =	vst v18  }
0x48: {  	s28 =	simm.s32 $0x14;
	v39 =	vmov s29;
	v33 =	vand.u32 $0x70, v29;
	v29 =	vshll.u32 v29, $0x3;
	v42 =	vld.idx.msk [tilespmem:v15+s4+$0x0], $0xffff;
	[tilespmem:s26+$0xFFFFFF60] =	vst v19  }
0x49: {  	v37 =	vmov s28;
	s28 =	simm.s32 $0x15;
	v41 =	vshll.u32 v39, $0x3;
	v49 =	vand.u32 $0x72, v35;
	v32 =	vld.idx.msk [tilespmem:v32+s4+$0x0], $0xffff;
	[tilespmem:s26+$0xFFFFFF80] =	vst v21  }
0x4a: {  	v38 =	vmov s28;
	s28 =	simm.s32 $0x16;
	v29 =	vand.u32 $0xC00, v29;
	v52 =	vand.u32 $0x74, v37;
	v16 =	vld.idx.msk [tilespmem:v16+s4+$0x0], $0xffff;
	[tilespmem:s26+$0xFFFFFFA0] =	vst v22  }
0x4b: {  	v40 =	vmov s28;
	v53 =	vand.u32 $0x75, v38;
	v61 =	vshll.u32 v38, $0x3;
	[tilespmem:s26+$0xFFFFFFC0] =	vst v30;
	v47 =	vld.idx.msk [tilespmem:v3+s4+$0x0], $0xffff  }
0x4c: {  	s29 =	simm.s32 $0x19;
	v2 =	vor.u32 v33, v29;
	v62 =	vshll.u32 v40, $0x3;
	v23 =	vor.u32 v1, v23;
	[tilespmem:s26+$0x0] =	vst v24;
	v30 =	vld.idx.msk [tilespmem:v5+s4+$0x0], $0xffff  }
0x4d: {  	v17 =	vor.u32 v1, v20;
	v20 =	vand.u32 $0xC00, v41;
	v41 =	vmov s29;
	s29 =	simm.s32 $0x1B;
	[tilespmem:s26+$0x20] =	vst v25;
	v51 =	vld.idx.msk [tilespmem:v6+s4+$0x0], $0xffff  }
0x4e: {  	v21 =	vor.u32 v1, v10;
	[tilespmem:s26+$0x40] =	vst v26;
	v44 =	vmov s29;
	v54 =	vld.idx.msk [tilespmem:v7+s4+$0x0], $0xffff;
	v7 =	vand.u32 $0x79, v41  }
0x4f: {  	v59 =	vld.idx.msk [tilespmem:v9+s4+$0x0], $0xffff;
	v9 =	vshll.u32 v34, $0x3;
	v34 =	vshll.u32 v35, $0x3;
	[tilespmem:s26+$0xE0] =	vst v16;
	v16 =	vand.u32 $0x7E, v39  }
0x50: {  	[tilespmem:s26+$0x80] =	vst v42;
	s29 =	simm.s32 $0x1D;
	v24 =	vshll.u32 v41, $0x3;
	v25 =	vld.idx.msk [tilespmem:v13+s4+$0x0], $0xffff;
	v35 =	vand.u32 $0xC00, v62;
	v18 =	vor.u32 v16, v20  }
0x51: {  	[tilespmem:s26+$0xA0] =	vst v32;
	v26 =	vld.idx.msk [tilespmem:v55+s4+$0x0], $0xffff;
	v46 =	vmov s29;
	v5 =	vand.u32 $0x7B, v44;
	v19 =	vor.u32 v0, v18  }
0x52: {  	s28 =	simm.s32 $0x17;
	[tilespmem:s26+$0xFFFFFF00] =	vst v8;
	v8 =	vand.u32 $0xC00, v9;
	v13 =	vand.u32 $0xC00, v34;
	v9 =	vor.u32 v0, v2;
	v20 =	vld.idx.msk [tilespmem:v27+s4+$0x0], $0xffff  }
0x53: {  	[tilespmem:s26+$0xFFFFFFE0] =	vst v31;
	v29 =	vld.idx.msk [tilespmem:v56+s4+$0x0], $0xffff;
	v3 =	vand.u32 $0x7D, v46;
	v13 =	vor.u32 v49, v13;
	v39 =	vmov s28;
	s28 =	simm.s32 $0x18  }
0x54: {  	v33 =	vor.u32 v0, v13;
	v57 =	vld.idx.msk [tilespmem:v17+s4+$0x0], $0xffff;
	v17 =	vshll.u32 v46, $0x3;
	v27 =	vmov s28;
	s28 =	simm.s32 $0x1A;
	[tilespmem:s26+$0xFFFFFF30] =	vst v47  }
0x55: {  	v23 =	vld.idx.msk [tilespmem:v23+s4+$0x0], $0xffff;
	v16 =	vand.u32 $0x76, v40;
	v15 =	vand.u32 $0x77, v39;
	[tilespmem:s26+$0xFFFFFF50] =	vst v30;
	v43 =	vmov s28  }
0x56: {  	[tilespmem:s26+$0xFFFFFF70] =	vst v51;
	s28 =	simm.s32 $0x1C;
	v10 =	vand.u32 $0x78, v27;
	v58 =	vor.u32 v1, v18;
	v31 =	vshll.u32 v27, $0x3;
	v19 =	vld.idx.msk [tilespmem:v19+s4+$0x0], $0xffff  }
0x57: {  	v45 =	vmov s28;
	v6 =	vand.u32 $0x7A, v43;
	v22 =	vshll.u32 v43, $0x3;
	[tilespmem:s26+$0x60] =	vst v20;
	v20 =	vld.idx.msk [tilespmem:v21+s4+$0x0], $0xffff  }
0x58: {  	[tilespmem:s26+$0xFFFFFF90] =	vst v54;
	v4 =	vand.u32 $0x7C, v45;
	v18 =	vshll.u32 v45, $0x3;
	v21 =	vld.idx.msk [tilespmem:v11+s4+$0x0], $0xffff;
	v11 =	vshll.u32 v37, $0x3  }
0x59: {  	[tilespmem:s26+$0xFFFFFFD0] =	vst v59;
	v28 =	vld.idx.msk [tilespmem:v14+s4+$0x0], $0xffff;
	v14 =	vand.u32 $0xC00, v63;
	v63 =	vand.u32 $0xC00, v11;
	v11 =	vor.u32 v48, v8  }
0x5a: {  	[tilespmem:s26+$0xF0] =	vst v23;
	v23 =	vld.idx.msk [tilespmem:v12+s4+$0x0], $0xffff;
	v12 =	vshll.u32 v39, $0x3;
	v8 =	vand.u32 $0xC00, v61;
	v34 =	vor.u32 v0, v11  }
0x5b: {  	v27 =	vld.idx.msk [tilespmem:v60+s4+$0x0], $0xffff;
	v36 =	vand.u32 $0xC00, v12;
	v14 =	vor.u32 v50, v14;
	v12 =	vor.u32 v52, v63;
	[tilespmem:s26+$0xC0] =	vst v19  }
0x5c: {  	s29 =	simm.s32 $0x1F;
	s28 =	simm.s32 $0x20;
	[tilespmem:s26+$0xFFFFFFB0] =	vst v57;
	v8 =	vor.u32 v53, v8;
	v32 =	vor.u32 v0, v14;
	v19 =	vshll.u32 v44, $0x3;
	v30 =	vld.idx.msk [tilespmem:v58+s4+$0x0], $0xffff  }
.LBB2_3:
0x5d: {  	p4 =	slt.u32 s28, $0x1F0;
	v37 =	vor.u32 v0, v12;
	v16 =	vor.u32 v16, v35;
	v35 =	vmov s29;
	[tilespmem:s26+$0xFFFFFFF0] =	vst v20  }
0x5e: {  	v20 =	vor.u32 v0, v8;
	v15 =	vor.u32 v15, v36;
	v9 =	vld.idx.msk [tilespmem:v9+s4+$0x0], $0xffff;
	v36 =	vshll.u32 v35, $0x3;
	[tilespmem:s26+$0x10] =	vst v21  }
0x5f: {  	v35 =	vand.u32 $0x7F, v35;
	v21 =	vld.idx.msk [tilespmem:v34+s4+$0x0], $0xffff;
	v34 =	vor.u32 v0, v16;
	v36 =	vand.u32 $0xC00, v36;
	[tilespmem:s26+$0x30] =	vst v23  }
0x60: {  	v31 =	vand.u32 $0xC00, v31;
	v23 =	vld.idx.msk [tilespmem:v33+s4+$0x0], $0xffff;
	v33 =	vor.u32 v0, v15;
	v35 =	vor.u32 v35, v36;
	[tilespmem:s26+$0x50] =	vst v25  }
0x61: {  	v24 =	vand.u32 $0xC00, v24;
	v10 =	vor.u32 v10, v31;
	v25 =	vld.idx.msk [tilespmem:v32+s4+$0x0], $0xffff;
	v31 =	vor.u32 v0, v35;
	[tilespmem:s26+$0x70] =	vst v28  }
0x62: {  	v22 =	vand.u32 $0xC00, v22;
	v7 =	vor.u32 v7, v24;
	v32 =	vor.u32 v0, v10;
	v28 =	vld.idx.msk [tilespmem:v37+s4+$0x0], $0xffff;
	[tilespmem:s26+$0x90] =	vst v26  }
0x63: {  	v19 =	vand.u32 $0xC00, v19;
	v6 =	vor.u32 v6, v22;
	v24 =	vor.u32 v0, v7;
	v20 =	vld.idx.msk [tilespmem:v20+s4+$0x0], $0xffff;
	[tilespmem:s26+$0xB0] =	vst v29  }
0x64: {  	v18 =	vand.u32 $0xC00, v18;
	v5 =	vor.u32 v5, v19;
	v26 =	vor.u32 v0, v6;
	v22 =	vld.idx.msk [tilespmem:v34+s4+$0x0], $0xffff;
	[tilespmem:s26+$0xD0] =	vst v30  }
0x65: {  	v17 =	vand.u32 $0xC00, v17;
	v4 =	vor.u32 v4, v18;
	v29 =	vor.u32 v0, v5;
	v19 =	vld.idx.msk [tilespmem:v33+s4+$0x0], $0xffff;
	[tilespmem:s26+$0xFFFFFF10] =	vst v27  }
0x66: {  	v3 =	vor.u32 v3, v17;
	v18 =	vor.u32 v0, v4;
	v27 =	vld.idx.msk [tilespmem:v31+s4+$0x0], $0xffff  }
0x67: {  	v30 =	vmov s28;
	v31 =	vld.idx.msk [tilespmem:v32+s4+$0x0], $0xffff;
	v32 =	vor.u32 v0, v3  }
0x68: {  	s29 =	sadd.s32 $0x1, s28;
	s30 =	sadd.s32 $0x2, s28;
	v17 =	vand.u32 $0x70, v30;
	v30 =	vshll.u32 v30, $0x3;
	v33 =	vor.u32 v1, v35;
	v24 =	vld.idx.msk [tilespmem:v24+s4+$0x0], $0xffff  }
0x69: {  	v11 =	vor.u32 v1, v11;
	v34 =	vmov s29;
	s29 =	sadd.s32 $0x3, s28;
	v35 =	vmov s30;
	s30 =	sadd.s32 $0x4, s28;
	v26 =	vld.idx.msk [tilespmem:v26+s4+$0x0], $0xffff  }
0x6a: {  	v13 =	vor.u32 v1, v13;
	v36 =	vmov s29;
	s29 =	sadd.s32 $0x5, s28;
	v37 =	vmov s30;
	s30 =	sadd.s32 $0xE, s25;
	s25 =	smov.u32 s28;
	v29 =	vld.idx.msk [tilespmem:v29+s4+$0x0], $0xffff  }
0x6b: {  	v14 =	vor.u32 v1, v14;
	s26 =	sadd.s32 $0x200, s26;
	v38 =	vmov s29;
	s29 =	sadd.s32 $0x6, s28;
	v39 =	vmov s30;
	v18 =	vld.idx.msk [tilespmem:v18+s4+$0x0], $0xffff  }
0x6c: {  	v12 =	vor.u32 v1, v12;
	v40 =	vmov s29;
	v41 =	vshll.u32 v39, $0x3;
	v32 =	vld.idx.msk [tilespmem:v32+s4+$0x0], $0xffff;
	[tilespmem:s26+$0xE0] =	vst v27  }
0x6d: {  	v8 =	vor.u32 v1, v8;
	s29 =	sadd.s32 $0x7, s28;
	v27 =	vand.u32 $0xC00, v41;
	[tilespmem:s26+$0xFFFFFF20] =	vst v21;
	v21 =	vand.u32 $0x7E, v39;
	v33 =	vld.idx.msk [tilespmem:v33+s4+$0x0], $0xffff  }
0x6e: {  	v16 =	vor.u32 v1, v16;
	s30 =	sadd.s32 $0x9, s28;
	v39 =	vmov s29;
	s29 =	sadd.s32 $0x8, s28;
	v11 =	vld.idx.msk [tilespmem:v11+s4+$0x0], $0xffff;
	[tilespmem:s26+$0xFFFFFF40] =	vst v23;
	v27 =	vor.u32 v21, v27  }
0x6f: {  	v42 =	vmov s30;
	s30 =	sadd.s32 $0xB, s28;
	v41 =	vmov s29;
	s29 =	sadd.s32 $0xA, s28;
	v13 =	vld.idx.msk [tilespmem:v13+s4+$0x0], $0xffff;
	[tilespmem:s26+$0xFFFFFF60] =	vst v25;
	v21 =	vor.u32 v0, v27  }
0x70: {  	v44 =	vmov s30;
	s30 =	sadd.s32 $0xD, s28;
	v23 =	vor.u32 v1, v15;
	v43 =	vmov s29;
	s29 =	sadd.s32 $0xC, s28;
	v14 =	vld.idx.msk [tilespmem:v14+s4+$0x0], $0xffff;
	[tilespmem:s26+$0xFFFFFF80] =	vst v28  }
0x71: {  	v46 =	vmov s30;
	v25 =	vor.u32 v1, v10;
	v45 =	vmov s29;
	v12 =	vld.idx.msk [tilespmem:v12+s4+$0x0], $0xffff;
	[tilespmem:s26+$0xFFFFFFA0] =	vst v20  }
0x72: {  	v48 =	vand.u32 $0x71, v34;
	v47 =	vand.u32 $0xC00, v30;
	v8 =	vld.idx.msk [tilespmem:v8+s4+$0x0], $0xffff;
	[tilespmem:s26+$0xFFFFFFC0] =	vst v22;
	v22 =	vor.u32 v1, v7  }
0x73: {  	v49 =	vand.u32 $0x72, v35;
	v50 =	vand.u32 $0x73, v36;
	v28 =	vor.u32 v1, v6;
	v51 =	vld.idx.msk [tilespmem:v16+s4+$0x0], $0xffff;
	[tilespmem:s26+$0xF0] =	vst v33  }
0x74: {  	v52 =	vand.u32 $0x74, v37;
	v53 =	vand.u32 $0x75, v38;
	[tilespmem:s26+$0xFFFFFFE0] =	vst v19;
	v19 =	vor.u32 v1, v5;
	v30 =	vld.idx.msk [tilespmem:v21+s4+$0x0], $0xffff  }
0x75: {  	v15 =	vand.u32 $0x77, v39;
	v16 =	vand.u32 $0x76, v40;
	v20 =	vld.idx.msk [tilespmem:v23+s4+$0x0], $0xffff;
	[tilespmem:s26+$0x0] =	vst v31;
	v31 =	vor.u32 v1, v4  }
0x76: {  	v10 =	vand.u32 $0x78, v41;
	v7 =	vand.u32 $0x79, v42;
	v33 =	vor.u32 v1, v3;
	v21 =	vld.idx.msk [tilespmem:v25+s4+$0x0], $0xffff;
	[tilespmem:s26+$0x20] =	vst v24  }
0x77: {  	v27 =	vor.u32 v1, v27;
	v6 =	vand.u32 $0x7A, v43;
	v5 =	vand.u32 $0x7B, v44;
	v23 =	vld.idx.msk [tilespmem:v22+s4+$0x0], $0xffff;
	[tilespmem:s26+$0x40] =	vst v26  }
0x78: {  	v54 =	vor.u32 v1, v2;
	v3 =	vand.u32 $0x7D, v46;
	v4 =	vand.u32 $0x7C, v45;
	v25 =	vld.idx.msk [tilespmem:v28+s4+$0x0], $0xffff;
	[tilespmem:s26+$0x60] =	vst v29  }
0x79: {  	v34 =	vshll.u32 v34, $0x3;
	v35 =	vshll.u32 v35, $0x3;
	v36 =	vshll.u32 v36, $0x3;
	v28 =	vld.idx.msk [tilespmem:v19+s4+$0x0], $0xffff;
	[tilespmem:s26+$0x80] =	vst v18  }
0x7a: {  	v37 =	vshll.u32 v37, $0x3;
	v38 =	vshll.u32 v38, $0x3;
	v40 =	vshll.u32 v40, $0x3;
	v26 =	vld.idx.msk [tilespmem:v31+s4+$0x0], $0xffff;
	[tilespmem:s26+$0xA0] =	vst v32  }
0x7b: {  	v24 =	vshll.u32 v42, $0x3;
	v32 =	vshll.u32 v39, $0x3;
	v31 =	vshll.u32 v41, $0x3;
	v29 =	vld.idx.msk [tilespmem:v33+s4+$0x0], $0xffff;
	[tilespmem:s26+$0xC0] =	vst v30  }
0x7c: {  	v22 =	vshll.u32 v43, $0x3;
	v19 =	vshll.u32 v44, $0x3;
	v18 =	vshll.u32 v45, $0x3;
	[tilespmem:s26+$0xFFFFFF00] =	vst v9;
	v30 =	vld.idx.msk [tilespmem:v27+s4+$0x0], $0xffff  }
0x7d: {  	v2 =	vor.u32 v17, v47;
	v17 =	vshll.u32 v46, $0x3;
	v33 =	vand.u32 $0xC00, v34;
	v27 =	vld.idx.msk [tilespmem:v54+s4+$0x0], $0xffff;
	[tilespmem:s26+$0xFFFFFF30] =	vst v11  }
.Ltmp4:
0x7e: {  	v35 =	vand.u32 $0xC00, v35;
	v36 =	vand.u32 $0xC00, v36;
	v37 =	vand.u32 $0xC00, v37;
	[tilespmem:s26+$0xFFFFFF50] =	vst v13;
	(pc) =	sbr.rel @p4 .LBB2_3-.Ltmp4, $4  }
0x7f: {  	v38 =	vand.u32 $0xC00, v38;
	v9 =	vor.u32 v0, v2;
	v11 =	vor.u32 v48, v33;
	[tilespmem:s26+$0xFFFFFF70] =	vst v14  }
0x80: {  	v34 =	vor.u32 v0, v11;
	v13 =	vor.u32 v49, v35;
	v35 =	vand.u32 $0xC00, v40;
	[tilespmem:s26+$0xFFFFFF90] =	vst v12  }
0x81: {  	v33 =	vor.u32 v0, v13;
	v14 =	vor.u32 v50, v36;
	v36 =	vand.u32 $0xC00, v32;
	[tilespmem:s26+$0xFFFFFFB0] =	vst v8  }
0x82: {  	s28 =	sadd.s32 $0x10, s28;
	s29 =	sadd.s32 $0xF, s25;
	v32 =	vor.u32 v0, v14;
	v12 =	vor.u32 v52, v37;
	v8 =	vor.u32 v53, v38;
	[tilespmem:s26+$0xFFFFFFD0] =	vst v51  }
0x83: {  	[tilespmem:s26+$0xFFFFFFF0] =	vst v20  }
0x84: {  	[tilespmem:s26+$0x10] =	vst v21  }
0x85: {  	[tilespmem:s26+$0x30] =	vst v23  }
0x86: {  	v58 =	vor.u32 v0, v12;
	[tilespmem:s26+$0x50] =	vst v25  }
0x87: {  	v16 =	vor.u32 v16, v35;
	v59 =	vor.u32 v0, v8;
	[tilespmem:s26+$0x70] =	vst v28;
	v61 =	vld.idx.msk [tilespmem:v34+s4+$0x0], $0xffff  }
0x88: {  	v15 =	vor.u32 v15, v36;
	[tilespmem:s26+$0x90] =	vst v26;
	v36 =	vld.idx.msk [tilespmem:v33+s4+$0x0], $0xffff;
	v62 =	vor.u32 v0, v16  }
0x89: {  	v37 =	vmov s29;
	[tilespmem:s26+$0xB0] =	vst v29;
	v39 =	vld.idx.msk [tilespmem:v32+s4+$0x0], $0xffff;
	v63 =	vor.u32 v0, v15  }
0x8a: {  	v31 =	vand.u32 $0xC00, v31;
	v24 =	vand.u32 $0xC00, v24;
	[tilespmem:s26+$0xD0] =	vst v30;
	v11 =	vor.u32 v1, v11;
	v9 =	vld.idx.msk [tilespmem:v9+s4+$0x0], $0xffff  }
0x8b: {  	v22 =	vand.u32 $0xC00, v22;
	v19 =	vand.u32 $0xC00, v19;
	[tilespmem:s26+$0xFFFFFF10] =	vst v27;
	s31 =	sadd.s32 $0x200, s26;
	v13 =	vor.u32 v1, v13;
	v20 =	vld.idx.msk [tilespmem:v58+s4+$0x0], $0xffff  }
0x8c: {  	v18 =	vand.u32 $0xC00, v18;
	v14 =	vor.u32 v1, v14;
	v2 =	vor.u32 v1, v2;
	v21 =	vld.idx.msk [tilespmem:v59+s4+$0x0], $0xffff;
	[tilespmem:s31+$0xFFFFFF20] =	vst v61  }
0x8d: {  	v17 =	vand.u32 $0xC00, v17;
	v10 =	vor.u32 v10, v31;
	v7 =	vor.u32 v7, v24;
	[tilespmem:s31+$0xFFFFFF40] =	vst v36;
	v41 =	vld.idx.msk [tilespmem:v62+s4+$0x0], $0xffff  }
0x8e: {  	v38 =	vshll.u32 v37, $0x3;
	v6 =	vor.u32 v6, v22;
	v40 =	vor.u32 v0, v10;
	[tilespmem:s31+$0xFFFFFF60] =	vst v39;
	v47 =	vld.idx.msk [tilespmem:v63+s4+$0x0], $0xffff  }
0x8f: {  	s25 =	sadd.s32 $0xE, s25;
	v37 =	vand.u32 $0x7F, v37;
	v5 =	vor.u32 v5, v19;
	v24 =	vor.u32 v0, v7;
	[tilespmem:s31+$0xFFFFFF00] =	vst v9;
	v11 =	vld.idx.msk [tilespmem:v11+s4+$0x0], $0xffff  }
0x90: {  	v4 =	vor.u32 v4, v18;
	v43 =	vmov s25;
	v22 =	vor.u32 v0, v6;
	v13 =	vld.idx.msk [tilespmem:v13+s4+$0x0], $0xffff;
	[tilespmem:s31+$0xFFFFFF80] =	vst v20  }
0x91: {  	v3 =	vor.u32 v3, v17;
	v38 =	vand.u32 $0xC00, v38;
	v42 =	vor.u32 v0, v5;
	v14 =	vld.idx.msk [tilespmem:v14+s4+$0x0], $0xffff;
	[tilespmem:s31+$0xFFFFFFA0] =	vst v21  }
0x92: {  	v44 =	vor.u32 v0, v4;
	v45 =	vshll.u32 v43, $0x3;
	v48 =	vand.u32 $0x7E, v43;
	v2 =	vld.idx.msk [tilespmem:v2+s4+$0x0], $0xffff;
	[tilespmem:s31+$0xFFFFFFC0] =	vst v41  }
0x93: {  	v51 =	vor.u32 v0, v3;
	v37 =	vor.u32 v37, v38;
	v49 =	vand.u32 $0xC00, v45;
	v50 =	vld.idx.msk [tilespmem:v40+s4+$0x0], $0xffff;
	[tilespmem:s31+$0xFFFFFFE0] =	vst v47  }
0x94: {  	v38 =	vor.u32 v0, v37;
	v17 =	vor.u32 v48, v49;
	v52 =	vld.idx.msk [tilespmem:v24+s4+$0x0], $0xffff;
	[tilespmem:s31+$0xFFFFFF30] =	vst v11  }
0x95: {  	v53 =	vor.u32 v0, v17;
	v54 =	vld.idx.msk [tilespmem:v22+s4+$0x0], $0xffff;
	[tilespmem:s31+$0xFFFFFF50] =	vst v13  }
0x96: {  	v58 =	vor.u32 v1, v12;
	v55 =	vld.idx.msk [tilespmem:v42+s4+$0x0], $0xffff;
	[tilespmem:s31+$0xFFFFFF70] =	vst v14  }
0x97: {  	v59 =	vor.u32 v1, v8;
	v56 =	vld.idx.msk [tilespmem:v44+s4+$0x0], $0xffff;
	[tilespmem:s31+$0xFFFFFF10] =	vst v2  }
0x98: {  	v15 =	vor.u32 v1, v15;
	v57 =	vld.idx.msk [tilespmem:v51+s4+$0x0], $0xffff;
	[tilespmem:s31+$0x0] =	vst v50  }
0x99: {  	v10 =	vor.u32 v1, v10;
	v60 =	vld.idx.msk [tilespmem:v38+s4+$0x0], $0xffff;
	[tilespmem:s31+$0x20] =	vst v52  }
0x9a: {  	v7 =	vor.u32 v1, v7;
	v20 =	vld.idx.msk [tilespmem:v53+s4+$0x0], $0xffff;
	[tilespmem:s31+$0x40] =	vst v54  }
0x9b: {  	v6 =	vor.u32 v1, v6;
	v12 =	vld.idx.msk [tilespmem:v58+s4+$0x0], $0xffff;
	[tilespmem:s31+$0x60] =	vst v55  }
0x9c: {  	v5 =	vor.u32 v1, v5;
	v8 =	vld.idx.msk [tilespmem:v59+s4+$0x0], $0xffff;
	[tilespmem:s31+$0x80] =	vst v56  }
0x9d: {  	v4 =	vor.u32 v1, v4;
	[tilespmem:s31+$0xA0] =	vst v57;
	v61 =	vld.idx.msk [tilespmem:v15+s4+$0x0], $0xffff  }
0x9e: {  	v3 =	vor.u32 v1, v3;
	v10 =	vld.idx.msk [tilespmem:v10+s4+$0x0], $0xffff;
	[tilespmem:s31+$0xE0] =	vst v60  }
0x9f: {  	v16 =	vor.u32 v1, v16;
	v7 =	vld.idx.msk [tilespmem:v7+s4+$0x0], $0xffff;
	[tilespmem:s31+$0xC0] =	vst v20  }
0xa0: {  	v38 =	vor.u32 v1, v37;
	v6 =	vld.idx.msk [tilespmem:v6+s4+$0x0], $0xffff;
	[tilespmem:s31+$0xFFFFFF90] =	vst v12  }
0xa1: {  	v62 =	vor.u32 v1, v17;
	v5 =	vld.idx.msk [tilespmem:v5+s4+$0x0], $0xffff;
	[tilespmem:s31+$0xFFFFFFB0] =	vst v8  }
0xa2: {  	v4 =	vld.idx.msk [tilespmem:v4+s4+$0x0], $0xffff;
	[tilespmem:s31+$0xFFFFFFF0] =	vst v61  }
0xa3: {  	v3 =	vld.idx.msk [tilespmem:v3+s4+$0x0], $0xffff;
	[tilespmem:s31+$0x10] =	vst v10  }
0xa4: {  	v60 =	vld.idx.msk [tilespmem:v16+s4+$0x0], $0xffff;
	[tilespmem:s31+$0x30] =	vst v7  }
0xa5: {  	v46 =	vld.idx.msk [tilespmem:v38+s4+$0x0], $0xffff;
	[tilespmem:s31+$0x50] =	vst v6  }
0xa6: {  	v63 =	vld.idx.msk [tilespmem:v62+s4+$0x0], $0xffff;
	[tilespmem:s31+$0x70] =	vst v5  }
0xa7: {  	[tilespmem:s31+$0x90] =	vst v4  }
0xa8: {  	[tilespmem:s31+$0xB0] =	vst v3  }
0xa9: {  	s23 =	sadd.s32 s9, s23;
	[tilespmem:s31+$0xFFFFFFD0] =	vst v60  }
.Ltmp5:
0xaa: {  	s24 =	sshll.u32 s24, $0xB;
	p4 =	sgt.u32 s23, $0x7A0;
	[tilespmem:s31+$0xF0] =	vst v46;
	(pc) =	sbr.rel @p3 .LBB2_8-.Ltmp5, $4  }
0xab: {  	s24 =	sadd.s32 s3, s24;
	s23 =	sshll.u32 @!p4 s23, $0x9;
	s25 =	simm.s32 @!p4 $0x7A1400;
	[tilespmem:s31+$0xD0] =	vst v63  }
0xac: {  	[hbm4b:s24+s4] =	stream.linear.scatter [tilespmem:s15], [sflag:$0x3], $0x4000, $0x38;
	[tilespmem:$0x10000] =	vst v63  }
0xad: {  	s26 =	simm.s32 @!p4 $0x0;
	s23 =	sadd.s32 @!p4 s0, s23;
	s24 =	simm.s32 @!p4 $0x1000  }
0xae: {  	[tilespmem:s26], [sflag:$0x1] =	stream.strided.gather @!p4 [hbm4b:s23+s24], $0x4000, s25, s24, $0x38;
	[tilespmem:$0x10000] =	vst v63  }
0xaf: {  	s23 =	simm.s32 $0x0  }
0xb0: {  	s26 =	simm.s32 $0x1;
	s24 =	simm.s32 $0x2;
	s28 =	simm.s32 $0x3;
	v2 =	vmov s23  }
0xb1: {  	s25 =	simm.s32 $0x4;
	s29 =	simm.s32 $0x5;
	s30 =	simm.s32 $0x6;
	v4 =	vmov s26;
	v5 =	vmov s24;
	v6 =	vmov s28  }
0xb2: {  	s31 =	simm.s32 $0x7;
	v7 =	vmov s25;
	v8 =	vmov s29;
	v9 =	vmov s30  }
0xb3: {  	v10 =	vmov s31;
	s25 =	simm.s32 $0x8;
	s26 =	simm.s32 $0x9;
	s28 =	simm.s32 $0xA;
	v3 =	vand.u32 $0x70, v2;
	v2 =	vshll.u32 v2, $0x3  }
0xb4: {  	s29 =	simm.s32 $0xB;
	s30 =	simm.s32 $0xC;
	s31 =	simm.s32 $0xD;
	v11 =	vmov s25;
	v12 =	vmov s26;
	v13 =	vmov s28  }
0xb5: {  	v14 =	vmov s29;
	v15 =	vmov s30;
	v16 =	vmov s31  }
0xb6: {  	v17 =	vand.u32 $0x71, v4;
	v18 =	vand.u32 $0x72, v5;
	v19 =	vand.u32 $0x73, v6  }
0xb7: {  	v20 =	vand.u32 $0x74, v7;
	v21 =	vand.u32 $0x75, v8;
	v22 =	vand.u32 $0x76, v9  }
0xb8: {  	v23 =	vand.u32 $0x77, v10;
	v4 =	vshll.u32 v4, $0x3;
	v5 =	vshll.u32 v5, $0x3  }
0xb9: {  	v6 =	vshll.u32 v6, $0x3;
	v7 =	vshll.u32 v7, $0x3;
	v8 =	vshll.u32 v8, $0x3  }
0xba: {  	v9 =	vshll.u32 v9, $0x3;
	v10 =	vshll.u32 v10, $0x3;
	v2 =	vand.u32 $0xC00, v2  }
0xbb: {  	v24 =	vand.u32 $0x78, v11;
	v25 =	vand.u32 $0x79, v12;
	v26 =	vand.u32 $0x7A, v13  }
0xbc: {  	v27 =	vand.u32 $0x7B, v14;
	v28 =	vand.u32 $0x7C, v15;
	v29 =	vand.u32 $0x7D, v16  }
0xbd: {  	v11 =	vshll.u32 v11, $0x3;
	v12 =	vshll.u32 v12, $0x3;
	v13 =	vshll.u32 v13, $0x3  }
0xbe: {  	v14 =	vshll.u32 v14, $0x3;
	v15 =	vshll.u32 v15, $0x3;
	v5 =	vand.u32 $0xC00, v5  }
0xbf: {  	s26 =	simm.s32 $0x11;
	v6 =	vand.u32 $0xC00, v6;
	v7 =	vand.u32 $0xC00, v7;
	v8 =	vand.u32 $0xC00, v8  }
0xc0: {  	s28 =	simm.s32 $0x12;
	s29 =	simm.s32 $0x13;
	s30 =	simm.s32 $0x14;
	v9 =	vand.u32 $0xC00, v9;
	v10 =	vand.u32 $0xC00, v10;
	v34 =	vmov s26  }
0xc1: {  	s31 =	simm.s32 $0x15;
	v35 =	vmov s28;
	v36 =	vmov s29;
	v37 =	vmov s30  }
0xc2: {  	v38 =	vmov s31;
	v2 =	vor.u32 v3, v2;
	v3 =	vand.u32 $0xC00, v4  }
0xc3: {  	v4 =	vshll.u32 v16, $0x3;
	v5 =	vor.u32 v18, v5;
	v6 =	vor.u32 v19, v6  }
0xc4: {  	_ =	swait.ge [sflag:s16], $0x4000;
	s25 =	simm.s32 $0xF;
	v7 =	vor.u32 v20, v7;
	v20 =	vor.u32 v21, v8;
	v9 =	vor.u32 v22, v9  }
0xc5: {  	[sflag:s16] =	ssyncset.done $0x0;
	v8 =	vmov s25;
	v10 =	vor.u32 v23, v10;
	v16 =	vor.u32 v0, v2  }
0xc6: {  	s24 =	simm.s32 @!p2 $0x4;
	[sflag:s16] =	ssyncadd.s32 $0xFFFFC000;
	v11 =	vand.u32 $0xC00, v11;
	v12 =	vand.u32 $0xC00, v12;
	v18 =	vor.u32 v0, v5  }
0xc7: {  	_ =	swait.ge @!p2 [sflag:s24], $0x4000;
	v13 =	vand.u32 $0xC00, v13;
	v14 =	vand.u32 $0xC00, v14;
	v19 =	vor.u32 v0, v6  }
0xc8: {  	[sflag:s24] =	ssyncset.done @!p2 $0x0;
	v15 =	vand.u32 $0xC00, v15;
	v21 =	vor.u32 v0, v7;
	v23 =	vshll.u32 v8, $0x3  }
0xc9: {  	s26 =	simm.s32 $0xE;
	v22 =	vor.u32 v0, v20;
	v8 =	vand.u32 $0x7F, v8;
	[sflag:s24] =	ssyncadd.s32 @!p2 $0xFFFFC000;
	v23 =	vand.u32 $0xC00, v23  }
0xca: {  	s28 =	simm.s32 $0x16;
	v39 =	vmov s26;
	v30 =	vor.u32 v0, v9;
	v23 =	vor.u32 v8, v23;
	v8 =	vld.idx.msk [tilespmem:v16+s17+$0x0], $0xffff  }
0xcb: {  	v40 =	vmov s28;
	v3 =	vor.u32 v17, v3;
	v31 =	vor.u32 v0, v10;
	v18 =	vld.idx.msk [tilespmem:v18+s17+$0x0], $0xffff  }
0xcc: {  	v48 =	vand.u32 $0x71, v34;
	v11 =	vor.u32 v24, v11;
	v17 =	vor.u32 v0, v3;
	v19 =	vld.idx.msk [tilespmem:v19+s17+$0x0], $0xffff  }
0xcd: {  	v49 =	vand.u32 $0x72, v35;
	v12 =	vor.u32 v25, v12;
	v24 =	vor.u32 v0, v11;
	v21 =	vld.idx.msk [tilespmem:v21+s17+$0x0], $0xffff  }
0xce: {  	v50 =	vand.u32 $0x73, v36;
	v13 =	vor.u32 v26, v13;
	v25 =	vor.u32 v0, v12;
	v22 =	vld.idx.msk [tilespmem:v22+s17+$0x0], $0xffff  }
0xcf: {  	v4 =	vand.u32 $0xC00, v4;
	v28 =	vor.u32 v28, v15;
	v26 =	vor.u32 v0, v13;
	v30 =	vld.idx.msk [tilespmem:v30+s17+$0x0], $0xffff  }
0xd0: {  	v52 =	vand.u32 $0x74, v37;
	v4 =	vor.u32 v29, v4;
	v15 =	vor.u32 v0, v28;
	v31 =	vld.idx.msk [tilespmem:v31+s17+$0x0], $0xffff  }
0xd1: {  	v53 =	vand.u32 $0x75, v38;
	v63 =	vshll.u32 v36, $0x3;
	v32 =	vor.u32 v0, v4;
	v17 =	vld.idx.msk [tilespmem:v17+s17+$0x0], $0xffff  }
0xd2: {  	v14 =	vor.u32 v27, v14;
	v5 =	vor.u32 v1, v5;
	s24 =	simm.s32 $0xC100;
	v16 =	vor.u32 v0, v23;
	v24 =	vld.idx.msk [tilespmem:v24+s17+$0x0], $0xffff  }
0xd3: {  	v61 =	vshll.u32 v38, $0x3;
	v6 =	vor.u32 v1, v6;
	v7 =	vor.u32 v1, v7;
	v25 =	vld.idx.msk [tilespmem:v25+s17+$0x0], $0xffff;
	[tilespmem:s24+$0xFFFFFF40] =	vst v18  }
0xd4: {  	s28 =	simm.s32 $0x1A;
	v41 =	vshll.u32 v39, $0x3;
	v9 =	vor.u32 v1, v9;
	v60 =	vor.u32 v1, v2;
	v26 =	vld.idx.msk [tilespmem:v26+s17+$0x0], $0xffff;
	[tilespmem:s24+$0xFFFFFF60] =	vst v19  }
0xd5: {  	s23 =	simm.s32 $0x10;
	v43 =	vmov s28;
	v27 =	vor.u32 v0, v14;
	v3 =	vor.u32 v1, v3;
	v42 =	vld.idx.msk [tilespmem:v15+s17+$0x0], $0xffff;
	[tilespmem:s24+$0xFFFFFF80] =	vst v21  }
0xd6: {  	v29 =	vmov s23;
	v11 =	vor.u32 v1, v11;
	v12 =	vor.u32 v1, v12;
	v32 =	vld.idx.msk [tilespmem:v32+s17+$0x0], $0xffff;
	[tilespmem:s24+$0xFFFFFFA0] =	vst v22  }
0xd7: {  	v13 =	vor.u32 v1, v13;
	v33 =	vand.u32 $0x70, v29;
	v29 =	vshll.u32 v29, $0x3;
	v16 =	vld.idx.msk [tilespmem:v16+s17+$0x0], $0xffff;
	[tilespmem:s24+$0xFFFFFFC0] =	vst v30  }
0xd8: {  	v14 =	vor.u32 v1, v14;
	v55 =	vor.u32 v1, v28;
	v29 =	vand.u32 $0xC00, v29;
	[tilespmem:s24+$0xFFFFFF00] =	vst v8;
	v30 =	vld.idx.msk [tilespmem:v5+s17+$0x0], $0xffff  }
0xd9: {  	v62 =	vshll.u32 v40, $0x3;
	v56 =	vor.u32 v1, v4;
	v2 =	vor.u32 v33, v29;
	[tilespmem:s24+$0xFFFFFF20] =	vst v17;
	v51 =	vld.idx.msk [tilespmem:v6+s17+$0x0], $0xffff  }
0xda: {  	s31 =	simm.s32 $0x19;
	v23 =	vor.u32 v1, v23;
	v21 =	vor.u32 v1, v10;
	v22 =	vshll.u32 v43, $0x3;
	v54 =	vld.idx.msk [tilespmem:v7+s17+$0x0], $0xffff;
	[tilespmem:s24+$0x20] =	vst v25  }
0xdb: {  	v17 =	vor.u32 v1, v20;
	v20 =	vand.u32 $0xC00, v41;
	v41 =	vmov s31;
	[tilespmem:s24+$0x40] =	vst v26;
	v59 =	vld.idx.msk [tilespmem:v9+s17+$0x0], $0xffff  }
0xdc: {  	v6 =	vand.u32 $0x7A, v43;
	v9 =	vshll.u32 v34, $0x3;
	v47 =	vld.idx.msk [tilespmem:v3+s17+$0x0], $0xffff;
	[tilespmem:s24+$0xE0] =	vst v16;
	v16 =	vand.u32 $0x7E, v39  }
0xdd: {  	s31 =	simm.s32 $0x1D;
	v34 =	vshll.u32 v35, $0x3;
	[tilespmem:s24+$0x80] =	vst v42;
	v35 =	vand.u32 $0xC00, v62;
	v25 =	vld.idx.msk [tilespmem:v13+s17+$0x0], $0xffff;
	v18 =	vor.u32 v16, v20  }
0xde: {  	[tilespmem:s24+$0x0] =	vst v24;
	v46 =	vmov s31;
	v7 =	vand.u32 $0x79, v41;
	v26 =	vld.idx.msk [tilespmem:v55+s17+$0x0], $0xffff;
	v19 =	vor.u32 v0, v18  }
0xdf: {  	[tilespmem:s24+$0xA0] =	vst v32;
	v24 =	vshll.u32 v41, $0x3;
	v8 =	vand.u32 $0xC00, v9;
	v13 =	vand.u32 $0xC00, v34;
	v20 =	vld.idx.msk [tilespmem:v27+s17+$0x0], $0xffff  }
0xe0: {  	s29 =	simm.s32 $0x17;
	s30 =	simm.s32 $0x18;
	[tilespmem:s24+$0xFFFFFFE0] =	vst v31;
	v9 =	vor.u32 v0, v2;
	v3 =	vand.u32 $0x7D, v46;
	v29 =	vld.idx.msk [tilespmem:v56+s17+$0x0], $0xffff;
	v13 =	vor.u32 v49, v13  }
0xe1: {  	v33 =	vor.u32 v0, v13;
	v39 =	vmov s29;
	s29 =	simm.s32 $0x1B;
	v23 =	vld.idx.msk [tilespmem:v23+s17+$0x0], $0xffff;
	v27 =	vmov s30;
	[tilespmem:s24+$0xFFFFFF50] =	vst v30  }
0xe2: {  	v44 =	vmov s29;
	s30 =	simm.s32 $0x1C;
	v16 =	vand.u32 $0x76, v40;
	v15 =	vand.u32 $0x77, v39;
	v57 =	vld.idx.msk [tilespmem:v17+s17+$0x0], $0xffff;
	[tilespmem:s24+$0xFFFFFF70] =	vst v51  }
0xe3: {  	v17 =	vshll.u32 v46, $0x3;
	[tilespmem:s24+$0xFFFFFF90] =	vst v54;
	v45 =	vmov s30;
	v10 =	vand.u32 $0x78, v27;
	v19 =	vld.idx.msk [tilespmem:v19+s17+$0x0], $0xffff  }
0xe4: {  	v5 =	vand.u32 $0x7B, v44;
	v58 =	vor.u32 v1, v18;
	v31 =	vshll.u32 v27, $0x3;
	[tilespmem:s24+$0x60] =	vst v20;
	v20 =	vld.idx.msk [tilespmem:v21+s17+$0x0], $0xffff  }
0xe5: {  	[tilespmem:s24+$0xFFFFFFD0] =	vst v59;
	v4 =	vand.u32 $0x7C, v45;
	v18 =	vshll.u32 v45, $0x3;
	v21 =	vld.idx.msk [tilespmem:v11+s17+$0x0], $0xffff;
	v11 =	vshll.u32 v37, $0x3  }
0xe6: {  	[tilespmem:s24+$0xFFFFFF30] =	vst v47;
	v28 =	vld.idx.msk [tilespmem:v14+s17+$0x0], $0xffff;
	v14 =	vand.u32 $0xC00, v63;
	v63 =	vand.u32 $0xC00, v11;
	v11 =	vor.u32 v48, v8  }
0xe7: {  	[tilespmem:s24+$0xF0] =	vst v23;
	v23 =	vld.idx.msk [tilespmem:v12+s17+$0x0], $0xffff;
	v12 =	vshll.u32 v39, $0x3;
	v8 =	vand.u32 $0xC00, v61;
	v34 =	vor.u32 v0, v11  }
0xe8: {  	v27 =	vld.idx.msk [tilespmem:v60+s17+$0x0], $0xffff;
	v36 =	vand.u32 $0xC00, v12;
	v14 =	vor.u32 v50, v14;
	v12 =	vor.u32 v52, v63;
	[tilespmem:s24+$0xC0] =	vst v19  }
0xe9: {  	s26 =	simm.s32 $0x1F;
	s25 =	simm.s32 $0x20;
	[tilespmem:s24+$0xFFFFFFB0] =	vst v57;
	v8 =	vor.u32 v53, v8;
	v32 =	vor.u32 v0, v14;
	v19 =	vshll.u32 v44, $0x3;
	v30 =	vld.idx.msk [tilespmem:v58+s17+$0x0], $0xffff  }
.LBB2_6:
0xea: {  	p2 =	slt.u32 s25, $0x1F0;
	v37 =	vor.u32 v0, v12;
	v16 =	vor.u32 v16, v35;
	v35 =	vmov s26;
	[tilespmem:s24+$0xFFFFFFF0] =	vst v20  }
0xeb: {  	v20 =	vor.u32 v0, v8;
	v15 =	vor.u32 v15, v36;
	v9 =	vld.idx.msk [tilespmem:v9+s17+$0x0], $0xffff;
	v36 =	vshll.u32 v35, $0x3;
	[tilespmem:s24+$0x10] =	vst v21  }
0xec: {  	v35 =	vand.u32 $0x7F, v35;
	v21 =	vld.idx.msk [tilespmem:v34+s17+$0x0], $0xffff;
	v34 =	vor.u32 v0, v16;
	v36 =	vand.u32 $0xC00, v36;
	[tilespmem:s24+$0x30] =	vst v23  }
0xed: {  	v31 =	vand.u32 $0xC00, v31;
	v23 =	vld.idx.msk [tilespmem:v33+s17+$0x0], $0xffff;
	v33 =	vor.u32 v0, v15;
	v35 =	vor.u32 v35, v36;
	[tilespmem:s24+$0x50] =	vst v25  }
0xee: {  	v24 =	vand.u32 $0xC00, v24;
	v10 =	vor.u32 v10, v31;
	v25 =	vld.idx.msk [tilespmem:v32+s17+$0x0], $0xffff;
	v31 =	vor.u32 v0, v35;
	[tilespmem:s24+$0x70] =	vst v28  }
0xef: {  	v22 =	vand.u32 $0xC00, v22;
	v7 =	vor.u32 v7, v24;
	v32 =	vor.u32 v0, v10;
	v28 =	vld.idx.msk [tilespmem:v37+s17+$0x0], $0xffff;
	[tilespmem:s24+$0x90] =	vst v26  }
0xf0: {  	v19 =	vand.u32 $0xC00, v19;
	v6 =	vor.u32 v6, v22;
	v24 =	vor.u32 v0, v7;
	v20 =	vld.idx.msk [tilespmem:v20+s17+$0x0], $0xffff;
	[tilespmem:s24+$0xB0] =	vst v29  }
0xf1: {  	v18 =	vand.u32 $0xC00, v18;
	v5 =	vor.u32 v5, v19;
	v26 =	vor.u32 v0, v6;
	v22 =	vld.idx.msk [tilespmem:v34+s17+$0x0], $0xffff;
	[tilespmem:s24+$0xD0] =	vst v30  }
0xf2: {  	v17 =	vand.u32 $0xC00, v17;
	v4 =	vor.u32 v4, v18;
	v29 =	vor.u32 v0, v5;
	v19 =	vld.idx.msk [tilespmem:v33+s17+$0x0], $0xffff;
	[tilespmem:s24+$0xFFFFFF10] =	vst v27  }
0xf3: {  	v3 =	vor.u32 v3, v17;
	v18 =	vor.u32 v0, v4;
	v27 =	vld.idx.msk [tilespmem:v31+s17+$0x0], $0xffff  }
0xf4: {  	v30 =	vmov s25;
	v31 =	vld.idx.msk [tilespmem:v32+s17+$0x0], $0xffff;
	v32 =	vor.u32 v0, v3  }
0xf5: {  	s26 =	sadd.s32 $0x1, s25;
	s28 =	sadd.s32 $0x2, s25;
	v17 =	vand.u32 $0x70, v30;
	v30 =	vshll.u32 v30, $0x3;
	v33 =	vor.u32 v1, v35;
	v24 =	vld.idx.msk [tilespmem:v24+s17+$0x0], $0xffff  }
0xf6: {  	v11 =	vor.u32 v1, v11;
	v34 =	vmov s26;
	s26 =	sadd.s32 $0x3, s25;
	v35 =	vmov s28;
	s28 =	sadd.s32 $0x4, s25;
	v26 =	vld.idx.msk [tilespmem:v26+s17+$0x0], $0xffff  }
0xf7: {  	v13 =	vor.u32 v1, v13;
	v36 =	vmov s26;
	s26 =	sadd.s32 $0x5, s25;
	v37 =	vmov s28;
	s28 =	sadd.s32 $0xE, s23;
	s23 =	smov.u32 s25;
	v29 =	vld.idx.msk [tilespmem:v29+s17+$0x0], $0xffff  }
0xf8: {  	v14 =	vor.u32 v1, v14;
	s24 =	sadd.s32 $0x200, s24;
	v38 =	vmov s26;
	s26 =	sadd.s32 $0x6, s25;
	v39 =	vmov s28;
	v18 =	vld.idx.msk [tilespmem:v18+s17+$0x0], $0xffff  }
0xf9: {  	v12 =	vor.u32 v1, v12;
	v40 =	vmov s26;
	v41 =	vshll.u32 v39, $0x3;
	v32 =	vld.idx.msk [tilespmem:v32+s17+$0x0], $0xffff;
	[tilespmem:s24+$0xE0] =	vst v27  }
0xfa: {  	v8 =	vor.u32 v1, v8;
	s26 =	sadd.s32 $0x7, s25;
	v27 =	vand.u32 $0xC00, v41;
	[tilespmem:s24+$0xFFFFFF20] =	vst v21;
	v21 =	vand.u32 $0x7E, v39;
	v33 =	vld.idx.msk [tilespmem:v33+s17+$0x0], $0xffff  }
0xfb: {  	v16 =	vor.u32 v1, v16;
	s28 =	sadd.s32 $0x9, s25;
	v39 =	vmov s26;
	s26 =	sadd.s32 $0x8, s25;
	v11 =	vld.idx.msk [tilespmem:v11+s17+$0x0], $0xffff;
	[tilespmem:s24+$0xFFFFFF40] =	vst v23;
	v27 =	vor.u32 v21, v27  }
0xfc: {  	v42 =	vmov s28;
	s28 =	sadd.s32 $0xB, s25;
	v41 =	vmov s26;
	s26 =	sadd.s32 $0xA, s25;
	v13 =	vld.idx.msk [tilespmem:v13+s17+$0x0], $0xffff;
	[tilespmem:s24+$0xFFFFFF60] =	vst v25;
	v21 =	vor.u32 v0, v27  }
0xfd: {  	v44 =	vmov s28;
	s28 =	sadd.s32 $0xD, s25;
	v23 =	vor.u32 v1, v15;
	v43 =	vmov s26;
	s26 =	sadd.s32 $0xC, s25;
	v14 =	vld.idx.msk [tilespmem:v14+s17+$0x0], $0xffff;
	[tilespmem:s24+$0xFFFFFF80] =	vst v28  }
0xfe: {  	v46 =	vmov s28;
	v25 =	vor.u32 v1, v10;
	v45 =	vmov s26;
	v12 =	vld.idx.msk [tilespmem:v12+s17+$0x0], $0xffff;
	[tilespmem:s24+$0xFFFFFFA0] =	vst v20  }
0xff: {  	v48 =	vand.u32 $0x71, v34;
	v47 =	vand.u32 $0xC00, v30;
	v8 =	vld.idx.msk [tilespmem:v8+s17+$0x0], $0xffff;
	[tilespmem:s24+$0xFFFFFFC0] =	vst v22;
	v22 =	vor.u32 v1, v7  }
0x100: {  	v49 =	vand.u32 $0x72, v35;
	v50 =	vand.u32 $0x73, v36;
	v28 =	vor.u32 v1, v6;
	v51 =	vld.idx.msk [tilespmem:v16+s17+$0x0], $0xffff;
	[tilespmem:s24+$0xF0] =	vst v33  }
0x101: {  	v52 =	vand.u32 $0x74, v37;
	v53 =	vand.u32 $0x75, v38;
	[tilespmem:s24+$0xFFFFFFE0] =	vst v19;
	v19 =	vor.u32 v1, v5;
	v30 =	vld.idx.msk [tilespmem:v21+s17+$0x0], $0xffff  }
0x102: {  	v15 =	vand.u32 $0x77, v39;
	v16 =	vand.u32 $0x76, v40;
	v20 =	vld.idx.msk [tilespmem:v23+s17+$0x0], $0xffff;
	[tilespmem:s24+$0x0] =	vst v31;
	v31 =	vor.u32 v1, v4  }
0x103: {  	v10 =	vand.u32 $0x78, v41;
	v7 =	vand.u32 $0x79, v42;
	v33 =	vor.u32 v1, v3;
	v21 =	vld.idx.msk [tilespmem:v25+s17+$0x0], $0xffff;
	[tilespmem:s24+$0x20] =	vst v24  }
0x104: {  	v27 =	vor.u32 v1, v27;
	v6 =	vand.u32 $0x7A, v43;
	v5 =	vand.u32 $0x7B, v44;
	v23 =	vld.idx.msk [tilespmem:v22+s17+$0x0], $0xffff;
	[tilespmem:s24+$0x40] =	vst v26  }
0x105: {  	v54 =	vor.u32 v1, v2;
	v3 =	vand.u32 $0x7D, v46;
	v4 =	vand.u32 $0x7C, v45;
	v25 =	vld.idx.msk [tilespmem:v28+s17+$0x0], $0xffff;
	[tilespmem:s24+$0x60] =	vst v29  }
0x106: {  	v34 =	vshll.u32 v34, $0x3;
	v35 =	vshll.u32 v35, $0x3;
	v36 =	vshll.u32 v36, $0x3;
	v28 =	vld.idx.msk [tilespmem:v19+s17+$0x0], $0xffff;
	[tilespmem:s24+$0x80] =	vst v18  }
0x107: {  	v37 =	vshll.u32 v37, $0x3;
	v38 =	vshll.u32 v38, $0x3;
	v40 =	vshll.u32 v40, $0x3;
	v26 =	vld.idx.msk [tilespmem:v31+s17+$0x0], $0xffff;
	[tilespmem:s24+$0xA0] =	vst v32  }
0x108: {  	v24 =	vshll.u32 v42, $0x3;
	v32 =	vshll.u32 v39, $0x3;
	v31 =	vshll.u32 v41, $0x3;
	v29 =	vld.idx.msk [tilespmem:v33+s17+$0x0], $0xffff;
	[tilespmem:s24+$0xC0] =	vst v30  }
0x109: {  	v22 =	vshll.u32 v43, $0x3;
	v19 =	vshll.u32 v44, $0x3;
	v18 =	vshll.u32 v45, $0x3;
	[tilespmem:s24+$0xFFFFFF00] =	vst v9;
	v30 =	vld.idx.msk [tilespmem:v27+s17+$0x0], $0xffff  }
0x10a: {  	v2 =	vor.u32 v17, v47;
	v17 =	vshll.u32 v46, $0x3;
	v33 =	vand.u32 $0xC00, v34;
	v27 =	vld.idx.msk [tilespmem:v54+s17+$0x0], $0xffff;
	[tilespmem:s24+$0xFFFFFF30] =	vst v11  }
.Ltmp6:
0x10b: {  	v35 =	vand.u32 $0xC00, v35;
	v36 =	vand.u32 $0xC00, v36;
	v37 =	vand.u32 $0xC00, v37;
	[tilespmem:s24+$0xFFFFFF50] =	vst v13;
	(pc) =	sbr.rel @p2 .LBB2_6-.Ltmp6, $4  }
0x10c: {  	v38 =	vand.u32 $0xC00, v38;
	v9 =	vor.u32 v0, v2;
	v11 =	vor.u32 v48, v33;
	[tilespmem:s24+$0xFFFFFF70] =	vst v14  }
0x10d: {  	v34 =	vor.u32 v0, v11;
	v13 =	vor.u32 v49, v35;
	v35 =	vand.u32 $0xC00, v40;
	[tilespmem:s24+$0xFFFFFF90] =	vst v12  }
0x10e: {  	v33 =	vor.u32 v0, v13;
	v14 =	vor.u32 v50, v36;
	v36 =	vand.u32 $0xC00, v32;
	[tilespmem:s24+$0xFFFFFFB0] =	vst v8  }
0x10f: {  	s25 =	sadd.s32 $0x10, s25;
	s26 =	sadd.s32 $0xF, s23;
	v32 =	vor.u32 v0, v14;
	v12 =	vor.u32 v52, v37;
	v8 =	vor.u32 v53, v38;
	[tilespmem:s24+$0xFFFFFFD0] =	vst v51  }
0x110: {  	[tilespmem:s24+$0xFFFFFFF0] =	vst v20  }
0x111: {  	[tilespmem:s24+$0x10] =	vst v21  }
0x112: {  	[tilespmem:s24+$0x30] =	vst v23  }
0x113: {  	v58 =	vor.u32 v0, v12;
	[tilespmem:s24+$0x50] =	vst v25  }
0x114: {  	v16 =	vor.u32 v16, v35;
	v59 =	vor.u32 v0, v8;
	[tilespmem:s24+$0x70] =	vst v28;
	v61 =	vld.idx.msk [tilespmem:v34+s17+$0x0], $0xffff  }
0x115: {  	v15 =	vor.u32 v15, v36;
	[tilespmem:s24+$0x90] =	vst v26;
	v36 =	vld.idx.msk [tilespmem:v33+s17+$0x0], $0xffff;
	v62 =	vor.u32 v0, v16  }
0x116: {  	v37 =	vmov s26;
	[tilespmem:s24+$0xB0] =	vst v29;
	v39 =	vld.idx.msk [tilespmem:v32+s17+$0x0], $0xffff;
	v63 =	vor.u32 v0, v15  }
0x117: {  	v31 =	vand.u32 $0xC00, v31;
	v24 =	vand.u32 $0xC00, v24;
	[tilespmem:s24+$0xD0] =	vst v30;
	v11 =	vor.u32 v1, v11;
	v9 =	vld.idx.msk [tilespmem:v9+s17+$0x0], $0xffff  }
0x118: {  	v22 =	vand.u32 $0xC00, v22;
	v19 =	vand.u32 $0xC00, v19;
	[tilespmem:s24+$0xFFFFFF10] =	vst v27;
	s31 =	sadd.s32 $0x200, s24;
	v13 =	vor.u32 v1, v13;
	v20 =	vld.idx.msk [tilespmem:v58+s17+$0x0], $0xffff  }
0x119: {  	v18 =	vand.u32 $0xC00, v18;
	v14 =	vor.u32 v1, v14;
	v2 =	vor.u32 v1, v2;
	v21 =	vld.idx.msk [tilespmem:v59+s17+$0x0], $0xffff;
	[tilespmem:s31+$0xFFFFFF20] =	vst v61  }
0x11a: {  	v17 =	vand.u32 $0xC00, v17;
	v10 =	vor.u32 v10, v31;
	v7 =	vor.u32 v7, v24;
	[tilespmem:s31+$0xFFFFFF40] =	vst v36;
	v41 =	vld.idx.msk [tilespmem:v62+s17+$0x0], $0xffff  }
0x11b: {  	v38 =	vshll.u32 v37, $0x3;
	v6 =	vor.u32 v6, v22;
	v40 =	vor.u32 v0, v10;
	[tilespmem:s31+$0xFFFFFF60] =	vst v39;
	v47 =	vld.idx.msk [tilespmem:v63+s17+$0x0], $0xffff  }
0x11c: {  	s23 =	sadd.s32 $0xE, s23;
	v37 =	vand.u32 $0x7F, v37;
	v5 =	vor.u32 v5, v19;
	v24 =	vor.u32 v0, v7;
	[tilespmem:s31+$0xFFFFFF00] =	vst v9;
	v11 =	vld.idx.msk [tilespmem:v11+s17+$0x0], $0xffff  }
0x11d: {  	v4 =	vor.u32 v4, v18;
	v43 =	vmov s23;
	v22 =	vor.u32 v0, v6;
	v13 =	vld.idx.msk [tilespmem:v13+s17+$0x0], $0xffff;
	[tilespmem:s31+$0xFFFFFF80] =	vst v20  }
0x11e: {  	v3 =	vor.u32 v3, v17;
	v38 =	vand.u32 $0xC00, v38;
	v42 =	vor.u32 v0, v5;
	v14 =	vld.idx.msk [tilespmem:v14+s17+$0x0], $0xffff;
	[tilespmem:s31+$0xFFFFFFA0] =	vst v21  }
0x11f: {  	v44 =	vor.u32 v0, v4;
	v45 =	vshll.u32 v43, $0x3;
	v48 =	vand.u32 $0x7E, v43;
	v2 =	vld.idx.msk [tilespmem:v2+s17+$0x0], $0xffff;
	[tilespmem:s31+$0xFFFFFFC0] =	vst v41  }
0x120: {  	v51 =	vor.u32 v0, v3;
	v37 =	vor.u32 v37, v38;
	v49 =	vand.u32 $0xC00, v45;
	v50 =	vld.idx.msk [tilespmem:v40+s17+$0x0], $0xffff;
	[tilespmem:s31+$0xFFFFFFE0] =	vst v47  }
0x121: {  	v38 =	vor.u32 v0, v37;
	v17 =	vor.u32 v48, v49;
	v52 =	vld.idx.msk [tilespmem:v24+s17+$0x0], $0xffff;
	[tilespmem:s31+$0xFFFFFF30] =	vst v11  }
0x122: {  	v53 =	vor.u32 v0, v17;
	v54 =	vld.idx.msk [tilespmem:v22+s17+$0x0], $0xffff;
	[tilespmem:s31+$0xFFFFFF50] =	vst v13  }
0x123: {  	v58 =	vor.u32 v1, v12;
	v55 =	vld.idx.msk [tilespmem:v42+s17+$0x0], $0xffff;
	[tilespmem:s31+$0xFFFFFF70] =	vst v14  }
0x124: {  	v59 =	vor.u32 v1, v8;
	v56 =	vld.idx.msk [tilespmem:v44+s17+$0x0], $0xffff;
	[tilespmem:s31+$0xFFFFFF10] =	vst v2  }
0x125: {  	v15 =	vor.u32 v1, v15;
	v57 =	vld.idx.msk [tilespmem:v51+s17+$0x0], $0xffff;
	[tilespmem:s31+$0x0] =	vst v50  }
0x126: {  	v10 =	vor.u32 v1, v10;
	v60 =	vld.idx.msk [tilespmem:v38+s17+$0x0], $0xffff;
	[tilespmem:s31+$0x20] =	vst v52  }
0x127: {  	v7 =	vor.u32 v1, v7;
	v20 =	vld.idx.msk [tilespmem:v53+s17+$0x0], $0xffff;
	[tilespmem:s31+$0x40] =	vst v54  }
0x128: {  	v6 =	vor.u32 v1, v6;
	v12 =	vld.idx.msk [tilespmem:v58+s17+$0x0], $0xffff;
	[tilespmem:s31+$0x60] =	vst v55  }
0x129: {  	v5 =	vor.u32 v1, v5;
	v8 =	vld.idx.msk [tilespmem:v59+s17+$0x0], $0xffff;
	[tilespmem:s31+$0x80] =	vst v56  }
0x12a: {  	v4 =	vor.u32 v1, v4;
	[tilespmem:s31+$0xA0] =	vst v57;
	v61 =	vld.idx.msk [tilespmem:v15+s17+$0x0], $0xffff  }
0x12b: {  	v3 =	vor.u32 v1, v3;
	v10 =	vld.idx.msk [tilespmem:v10+s17+$0x0], $0xffff;
	[tilespmem:s31+$0xE0] =	vst v60  }
0x12c: {  	v16 =	vor.u32 v1, v16;
	v7 =	vld.idx.msk [tilespmem:v7+s17+$0x0], $0xffff;
	[tilespmem:s31+$0xC0] =	vst v20  }
0x12d: {  	v38 =	vor.u32 v1, v37;
	v6 =	vld.idx.msk [tilespmem:v6+s17+$0x0], $0xffff;
	[tilespmem:s31+$0xFFFFFF90] =	vst v12  }
0x12e: {  	v62 =	vor.u32 v1, v17;
	v5 =	vld.idx.msk [tilespmem:v5+s17+$0x0], $0xffff;
	[tilespmem:s31+$0xFFFFFFB0] =	vst v8  }
0x12f: {  	v4 =	vld.idx.msk [tilespmem:v4+s17+$0x0], $0xffff;
	[tilespmem:s31+$0xFFFFFFF0] =	vst v61  }
0x130: {  	v3 =	vld.idx.msk [tilespmem:v3+s17+$0x0], $0xffff;
	[tilespmem:s31+$0x10] =	vst v10  }
0x131: {  	v60 =	vld.idx.msk [tilespmem:v16+s17+$0x0], $0xffff;
	[tilespmem:s31+$0x30] =	vst v7  }
0x132: {  	v46 =	vld.idx.msk [tilespmem:v38+s17+$0x0], $0xffff;
	[tilespmem:s31+$0x50] =	vst v6  }
0x133: {  	v63 =	vld.idx.msk [tilespmem:v62+s17+$0x0], $0xffff;
	[tilespmem:s31+$0x70] =	vst v5  }
0x134: {  	[tilespmem:s31+$0x90] =	vst v4  }
.Ltmp7:
0x135: {  	[tilespmem:s31+$0xB0] =	vst v3;
	(pc) =	sbr.rel .LBB2_8-.Ltmp7, $4  }
0x136: {  	[tilespmem:s31+$0xFFFFFFD0] =	vst v60  }
0x137: {  	s22 =	sshll.u32 s22, $0xB;
	[tilespmem:s31+$0xF0] =	vst v46  }
0x138: {  	s22 =	sadd.s32 s3, s22;
	[tilespmem:s31+$0xD0] =	vst v63  }
0x139: {  	[hbm4b:s22+s4] =	stream.linear.scatter [tilespmem:s18], [sflag:$0x4], $0x4000, $0x38;
	[tilespmem:$0x10000] =	vst v63  }
.LBB2_10:
0x13a: {  	_ =	sfence.sel $0x180000  }
0x13b: {  	[bflag:$0x0] =	sbarrier.arrive $0xFFFF  }
0x13c: {  	p0 =	sne.s32 s5, $0x0;
	_ =	strace $0x90000047  }
0x13d: {  	s0 =	sadd.s32 @!p0 $0x100000, s2;
	[bflag:$0x2] =	sbarrier.arrive $0xFFFF  }
0x13e: {  	[sflag:s0] =	ssyncadd.tile.s32 @!p0 $0x1;
	_ =	shalt  }
.Lfunc_end2:
_tile_overlayer_lowered:
.L_overlay_start_2:
0x13f: {  	(tag) =	ssettag $0x2  }
0x140: {  	s0 =	rddreg [dreg:$0x0];
	s2 =	stileid.u32  }
0x141: {  	s1 =	rddreg [dreg:$0x1];
	p0 =	sne.s32 s2, $0x0  }
0x142: {  	s3 =	rddreg [dreg:$0x2];
	[bflag:$0x3] =	sbarrier.arrive $0xFFFF;
	s2 =	simm.s32 @!p0 $0x1C05  }
0x143: {  	[timem:s3], [sflag:s2] =	dma.local @!p0 [hbm:s0], s1  }
0x144: {  	s0 =	simm.s32 @!p0 $0x5  }
0x145: {  	_ =	swait.ge @!p0 [sflag:s0], s1  }
0x146: {  	s1 =	ssub.s32 @!p0 $0x0, s1;
	[sflag:s0] =	ssyncset.done @!p0 $0x0  }
0x147: {  	[sflag:s0] =	ssyncadd.s32 @!p0 s1  }
0x148: {  	[bflag:$0x3] =	sbarrier.arrive $0xFFFF  }
0x149: {  	_ =	shalt  }

</sc_bundles>
